<compile_context>
chip_gen: v7x
topology: tpu7x:2x2x1
jax: 0.10.2.dev20260603
libtpu: 0.0.44.dev20260713+nightly
codegen_flags: <defaults>
</compile_context>

<pallas_src>
import functools

import jax
import jax.numpy as jnp
from jax import lax
from jax.experimental import pallas as pl
from jax.experimental.pallas import tpu as pltpu
from jax.experimental.pallas import tpu_sc as plsc

_E = 320000
_T = 8
_D = 128
_EPS = 1e-5

_NC = 2
_NS = 16
_NW = _NC * _NS
_BPW = _E // _NW
_C = 40
_NCHUNK = _BPW // _C
_NBUF = 10
_OUTER = _NCHUNK // _NBUF
_L = 16


def _prep_body(table_ref, gamma_ref, beta_ref, out_ref):
    emb = table_ref[...] * (_D ** 0.5)
    mean = jnp.mean(emb, axis=-1, keepdims=True)
    cen = emb - mean
    var = jnp.mean(cen * cen, axis=-1, keepdims=True)
    out_ref[...] = cen * lax.rsqrt(var + _EPS) * gamma_ref[...] + beta_ref[...]


def _prep(table, gamma, beta):
    return pl.pallas_call(
        _prep_body,
        out_shape=jax.ShapeDtypeStruct((_T, _D), jnp.float32),
    )(table, gamma, beta)


_mesh = plsc.VectorSubcoreMesh(core_axis_name="c", subcore_axis_name="s")


@functools.partial(
    pl.kernel,
    mesh=_mesh,
    out_type=jax.ShapeDtypeStruct((_E, _D), jnp.float32),
    compiler_params=pltpu.CompilerParams(needs_layout_passes=False),
    scratch_types=[
        pltpu.VMEM((_T, _D), jnp.float32),
        pltpu.VMEM_SHARED((_T, _D), jnp.float32),
        pltpu.VMEM((_BPW,), jnp.int32),
        pltpu.VMEM((_NBUF * _C, _D), jnp.float32),
        pltpu.SemaphoreType.DMA,
        pltpu.SemaphoreType.DMA((_NBUF,)),
        pltpu.SemaphoreType.DMA((_NBUF,)),
    ],
)
def _expand(ids_hbm, p_hbm, out_hbm, p_v, p_sh, idx_v, rows_v,
            isem, gsem, ssem):
    cid = lax.axis_index("c")
    sid = lax.axis_index("s")
    wid = sid * _NC + cid
    base = wid * _BPW

    ids_cp = pltpu.make_async_copy(
        ids_hbm.at[pl.ds(base, _BPW)], idx_v, isem)
    ids_cp.start()

    @pl.when(sid == 0)
    def _pub():
        pltpu.sync_copy(p_hbm, p_v)
        pltpu.sync_copy(p_v, p_sh)

    plsc.subcore_barrier()
    ids_cp.wait()

    def gather_copy(j, b):
        off = pl.multiple_of(j * _C, 8)
        return pltpu.make_async_copy(
            p_sh.at[idx_v.at[pl.ds(off, _C)]],
            rows_v.at[pl.ds(b * _C, _C)],
            gsem.at[b])

    def store_copy(j, b):
        off = pl.multiple_of(base + j * _C, 8)
        return pltpu.make_async_copy(
            rows_v.at[pl.ds(b * _C, _C)],
            out_hbm.at[pl.ds(off, _C)],
            ssem.at[b])

    for b in range(_NBUF):
        gather_copy(b, b).start()
    for b in range(_NBUF):
        gather_copy(b, b).wait()
        store_copy(b, b).start()

    def outer(grp, carry):
        jn = grp * _NBUF
        for b in range(_NBUF):
            store_copy(jn - _NBUF + b, b).wait()
            gather_copy(jn + b, b).start()
        for b in range(_NBUF):
            gather_copy(jn + b, b).wait()
            store_copy(jn + b, b).start()
        return carry

    lax.fori_loop(1, _OUTER, outer, 0)

    jlast = (_OUTER - 1) * _NBUF
    for b in range(_NBUF):
        store_copy(jlast + b, b).wait()


def kernel(edge_type_ids, table, gamma, beta):
    p = _prep(table.astype(jnp.float32), gamma.astype(jnp.float32),
              beta.astype(jnp.float32))
    return _expand(edge_type_ids.astype(jnp.int32), p)

# --- scband reference (transcript-rebuilt; emitter-appended) ---
"""Pipeline reference for scband-edge-type-embedding-79577154060745 (READ-ONLY COPY).

The authoritative reference and input builder live on the scoring server;
editing this copy changes nothing except your own understanding.
"""

import jax, jax.numpy as jnp
import numpy as np

E = 320000
T = 8
D = 128
EPS = 1e-5

def setup_inputs(seed: int = 0) -> dict:
    key = jax.random.key(seed)
    k1, k2, k3, k4 = jax.random.split(key, 4)
    edge_type_ids = jax.random.randint(k1, (E,), 0, T, dtype=jnp.int64 if jax.config.jax_enable_x64 else jnp.int32)
    # TokenEmbedding init: normal(mean=0, std=d**-0.5)
    table = jax.random.normal(k2, (T, D), dtype=jnp.float32) * (D ** -0.5)
    # per-edge-type LayerNorm params (stacked across the T edge types)
    gamma = jnp.ones((T, D), dtype=jnp.float32) + 0.1 * jax.random.normal(k3, (T, D), dtype=jnp.float32)
    beta = 0.1 * jax.random.normal(k4, (T, D), dtype=jnp.float32)
    return {"edge_type_ids": edge_type_ids, "table": table, "gamma": gamma, "beta": beta}

def reference(edge_type_ids, table, gamma, beta):
    scale = D ** 0.5
    # TokenEmbedding: gather + scale (memory-bound embedding lookup over edges)
    emb = jnp.take(table, edge_type_ids, axis=0) * scale  # [E, D]
    # per-type LayerNorm: gather the matching gamma/beta row for each edge
    g = jnp.take(gamma, edge_type_ids, axis=0)  # [E, D]
    b = jnp.take(beta, edge_type_ids, axis=0)   # [E, D]
    mean = jnp.mean(emb, axis=-1, keepdims=True)
    var = jnp.mean((emb - mean) ** 2, axis=-1, keepdims=True)
    normed = (emb - mean) / jnp.sqrt(var + EPS)
    out = normed * g + b
    # Dropout is identity in eval mode
    return out

if __name__ == "__main__":
    import jax
    _d = setup_inputs()
    print(jax.jit(kernel)(*tuple(_d.values())))

</pallas_src>

<mosaic_0001>
#map = affine_map<(d0, d1) -> (0)>
#map1 = affine_map<(d0, d1) -> (0, 0)>
module attributes {stable_mosaic.version = 14 : i64} {
  func.func @_expand(%arg0: i32, %arg1: i32, %arg2: memref<320000xi32, #tpu.memory_space<hbm>>, %arg3: memref<8x128xf32, #tpu.memory_space<hbm>>, %arg4: memref<320000x128xf32, #tpu.memory_space<hbm>>, %arg5: memref<8x128xf32, #tpu.memory_space<vmem>>, %arg6: memref<8x128xf32, #tpu.memory_space<vmem_shared>>, %arg7: memref<10000xi32, #tpu.memory_space<vmem>>, %arg8: memref<400x128xf32, #tpu.memory_space<vmem>>, %arg9: memref<!tpu.dma_semaphore, #tpu.memory_space<semaphore_mem>>, %arg10: memref<10x!tpu.dma_semaphore, #tpu.memory_space<semaphore_mem>>, %arg11: memref<10x!tpu.dma_semaphore, #tpu.memory_space<semaphore_mem>>) attributes {dimension_semantics = [#tpu.dimension_semantics<core_parallel>, #tpu.dimension_semantics<subcore_parallel>], iteration_bounds = array<i64: 2, 16>, scalar_prefetch = 0 : i64, scratch_operands = 7 : i64, tpu.core_type = #tpu.core_type<sc_vector_subcore>, window_params = [{transform_indices = #map}, {transform_indices = #map1}, {transform_indices = #map1}]} {
    %mul3A = arith.constant 2 : i32
    %mul3A_0 = arith.muli %arg1, %mul3A : i32
    %add3A = arith.addi %mul3A_0, %arg0 : i32
    %mul3A_1 = arith.constant 10000 : i32
    %mul3A_2 = arith.muli %add3A, %mul3A_1 : i32
    %dma_start3A = tpu.memref_slice %arg2[%mul3A_2] : memref<320000xi32, #tpu.memory_space<hbm>> -> memref<10000xi32, #tpu.memory_space<hbm>>
    %dma_start3A_3 = tpu.memref_slice %arg2[%mul3A_2] : memref<320000xi32, #tpu.memory_space<hbm>> -> memref<10000xi32, #tpu.memory_space<hbm>>
    tpu.enqueue_dma source(%dma_start3A_3 : memref<10000xi32, #tpu.memory_space<hbm>>) target(%arg7 : memref<10000xi32, #tpu.memory_space<vmem>>) target_semaphore(%arg9 : memref<!tpu.dma_semaphore, #tpu.memory_space<semaphore_mem>>)
    %eq3A = arith.constant 0 : i32
    %eq3A_4 = arith.cmpi eq, %arg1, %eq3A : i32
    %convert_element_type3A = arith.extui %eq3A_4 : i1 to i32
    %cond3A = arith.constant 0 : i32
    %cond3A_5 = arith.cmpi ne, %convert_element_type3A, %cond3A : i32
    scf.if %cond3A_5 {
      "tpu.region"() ({
        %run_scoped3A = tpu.sem_alloc : memref<!tpu.dma_semaphore, #tpu.memory_space<semaphore_mem>>
        tpu.enqueue_dma source(%arg3 : memref<8x128xf32, #tpu.memory_space<hbm>>) target(%arg5 : memref<8x128xf32, #tpu.memory_space<vmem>>) target_semaphore(%run_scoped3A : memref<!tpu.dma_semaphore, #tpu.memory_space<semaphore_mem>>)
        tpu.wait_dma2 semaphore(%run_scoped3A : memref<!tpu.dma_semaphore, #tpu.memory_space<semaphore_mem>>) src(%arg3 : memref<8x128xf32, #tpu.memory_space<hbm>>) dst(%arg5 : memref<8x128xf32, #tpu.memory_space<vmem>>)
        tpu.yield
      }) : () -> ()
      "tpu.region"() ({
        %run_scoped3A = tpu.sem_alloc : memref<!tpu.dma_semaphore, #tpu.memory_space<semaphore_mem>>
        tpu.enqueue_dma source(%arg5 : memref<8x128xf32, #tpu.memory_space<vmem>>) target(%arg6 : memref<8x128xf32, #tpu.memory_space<vmem_shared>>) target_semaphore(%run_scoped3A : memref<!tpu.dma_semaphore, #tpu.memory_space<semaphore_mem>>)
        tpu.wait_dma2 semaphore(%run_scoped3A : memref<!tpu.dma_semaphore, #tpu.memory_space<semaphore_mem>>) src(%arg5 : memref<8x128xf32, #tpu.memory_space<vmem>>) dst(%arg6 : memref<8x128xf32, #tpu.memory_space<vmem_shared>>)
        tpu.yield
      }) : () -> ()
    } else {
    }
    %barrier3A = arith.constant 0 : index
    tpu.barrier barrier_id(%barrier3A)
    %dma_wait3A = tpu.memref_slice %arg2[%mul3A_2] : memref<320000xi32, #tpu.memory_space<hbm>> -> memref<10000xi32, #tpu.memory_space<hbm>>
    %dma_wait3A_6 = tpu.memref_slice %arg2[%mul3A_2] : memref<320000xi32, #tpu.memory_space<hbm>> -> memref<10000xi32, #tpu.memory_space<hbm>>
    tpu.wait_dma2 semaphore(%arg9 : memref<!tpu.dma_semaphore, #tpu.memory_space<semaphore_mem>>) src(%dma_wait3A_6 : memref<10000xi32, #tpu.memory_space<hbm>>) dst(%arg7 : memref<10000xi32, #tpu.memory_space<vmem>>)
    %multiple_of3A = arith.constant 0 : i32
    %multiple_of3A_7 = tpu.assume_multiple %multiple_of3A, 8 : i32
    %dma_start3A_8 = arith.constant 0 : i32
    %dma_start3A_9 = arith.constant 0 : i32
    %dma_start3A_10 = arith.constant 0 : i32
    %dma_start3A_11 = tpu.memref_slice %arg8[%dma_start3A_9, %dma_start3A_10] : memref<400x128xf32, #tpu.memory_space<vmem>> -> memref<40x128xf32, #tpu.memory_space<vmem>>
    %dma_start3A_12 = tpu.memref_slice %arg7[%multiple_of3A_7] : memref<10000xi32, #tpu.memory_space<vmem>> -> memref<40xi32, #tpu.memory_space<vmem>>
    %dma_start3A_13 = arith.constant 0 : i32
    %dma_start3A_14 = arith.constant 0 : i32
    %dma_start3A_15 = tpu.memref_slice %arg6[%dma_start3A_13, %dma_start3A_14] : memref<8x128xf32, #tpu.memory_space<vmem_shared>> -> memref<8x128xf32, #tpu.memory_space<vmem_shared>>
    %dma_start3A_16 = tpu.memref_slice %arg10[%dma_start3A_8] : memref<10x!tpu.dma_semaphore, #tpu.memory_space<semaphore_mem>> -> memref<1x!tpu.dma_semaphore, #tpu.memory_space<semaphore_mem>>
    %dma_start3A_17 = tpu.memref_squeeze %dma_start3A_16 : memref<1x!tpu.dma_semaphore, #tpu.memory_space<semaphore_mem>> -> memref<!tpu.dma_semaphore, #tpu.memory_space<semaphore_mem>>
    tpu.enqueue_indirect_dma source(%dma_start3A_15 : memref<8x128xf32, #tpu.memory_space<vmem_shared>>) target(%dma_start3A_11 : memref<40x128xf32, #tpu.memory_space<vmem>>) offsets(%dma_start3A_12 : memref<40xi32, #tpu.memory_space<vmem>>) semaphore(%dma_start3A_17 : memref<!tpu.dma_semaphore, #tpu.memory_space<semaphore_mem>>)
    %multiple_of3A_18 = arith.constant 40 : i32
    %multiple_of3A_19 = tpu.assume_multiple %multiple_of3A_18, 8 : i32
    %dma_start3A_20 = arith.constant 1 : i32
    %dma_start3A_21 = arith.constant 40 : i32
    %dma_start3A_22 = arith.constant 0 : i32
    %dma_start3A_23 = tpu.memref_slice %arg8[%dma_start3A_21, %dma_start3A_22] : memref<400x128xf32, #tpu.memory_space<vmem>> -> memref<40x128xf32, #tpu.memory_space<vmem>>
    %dma_start3A_24 = tpu.memref_slice %arg7[%multiple_of3A_19] : memref<10000xi32, #tpu.memory_space<vmem>> -> memref<40xi32, #tpu.memory_space<vmem>>
    %dma_start3A_25 = arith.constant 0 : i32
    %dma_start3A_26 = arith.constant 0 : i32
    %dma_start3A_27 = tpu.memref_slice %arg6[%dma_start3A_25, %dma_start3A_26] : memref<8x128xf32, #tpu.memory_space<vmem_shared>> -> memref<8x128xf32, #tpu.memory_space<vmem_shared>>
    %dma_start3A_28 = tpu.memref_slice %arg10[%dma_start3A_20] : memref<10x!tpu.dma_semaphore, #tpu.memory_space<semaphore_mem>> -> memref<1x!tpu.dma_semaphore, #tpu.memory_space<semaphore_mem>>
    %dma_start3A_29 = tpu.memref_squeeze %dma_start3A_28 : memref<1x!tpu.dma_semaphore, #tpu.memory_space<semaphore_mem>> -> memref<!tpu.dma_semaphore, #tpu.memory_space<semaphore_mem>>
    tpu.enqueue_indirect_dma source(%dma_start3A_27 : memref<8x128xf32, #tpu.memory_space<vmem_shared>>) target(%dma_start3A_23 : memref<40x128xf32, #tpu.memory_space<vmem>>) offsets(%dma_start3A_24 : memref<40xi32, #tpu.memory_space<vmem>>) semaphore(%dma_start3A_29 : memref<!tpu.dma_semaphore, #tpu.memory_space<semaphore_mem>>)
    %multiple_of3A_30 = arith.constant 80 : i32
    %multiple_of3A_31 = tpu.assume_multiple %multiple_of3A_30, 8 : i32
    %dma_start3A_32 = arith.constant 2 : i32
    %dma_start3A_33 = arith.constant 80 : i32
    %dma_start3A_34 = arith.constant 0 : i32
    %dma_start3A_35 = tpu.memref_slice %arg8[%dma_start3A_33, %dma_start3A_34] : memref<400x128xf32, #tpu.memory_space<vmem>> -> memref<40x128xf32, #tpu.memory_space<vmem>>
    %dma_start3A_36 = tpu.memref_slice %arg7[%multiple_of3A_31] : memref<10000xi32, #tpu.memory_space<vmem>> -> memref<40xi32, #tpu.memory_space<vmem>>
    %dma_start3A_37 = arith.constant 0 : i32
    %dma_start3A_38 = arith.constant 0 : i32
    %dma_start3A_39 = tpu.memref_slice %arg6[%dma_start3A_37, %dma_start3A_38] : memref<8x128xf32, #tpu.memory_space<vmem_shared>> -> memref<8x128xf32, #tpu.memory_space<vmem_shared>>
    %dma_start3A_40 = tpu.memref_slice %arg10[%dma_start3A_32] : memref<10x!tpu.dma_semaphore, #tpu.memory_space<semaphore_mem>> -> memref<1x!tpu.dma_semaphore, #tpu.memory_space<semaphore_mem>>
    %dma_start3A_41 = tpu.memref_squeeze %dma_start3A_40 : memref<1x!tpu.dma_semaphore, #tpu.memory_space<semaphore_mem>> -> memref<!tpu.dma_semaphore, #tpu.memory_space<semaphore_mem>>
    tpu.enqueue_indirect_dma source(%dma_start3A_39 : memref<8x128xf32, #tpu.memory_space<vmem_shared>>) target(%dma_start3A_35 : memref<40x128xf32, #tpu.memory_space<vmem>>) offsets(%dma_start3A_36 : memref<40xi32, #tpu.memory_space<vmem>>) semaphore(%dma_start3A_41 : memref<!tpu.dma_semaphore, #tpu.memory_space<semaphore_mem>>)
    %multiple_of3A_42 = arith.constant 120 : i32
    %multiple_of3A_43 = tpu.assume_multiple %multiple_of3A_42, 8 : i32
    %dma_start3A_44 = arith.constant 3 : i32
    %dma_start3A_45 = arith.constant 120 : i32
    %dma_start3A_46 = arith.constant 0 : i32
    %dma_start3A_47 = tpu.memref_slice %arg8[%dma_start3A_45, %dma_start3A_46] : memref<400x128xf32, #tpu.memory_space<vmem>> -> memref<40x128xf32, #tpu.memory_space<vmem>>
    %dma_start3A_48 = tpu.memref_slice %arg7[%multiple_of3A_43] : memref<10000xi32, #tpu.memory_space<vmem>> -> memref<40xi32, #tpu.memory_space<vmem>>
    %dma_start3A_49 = arith.constant 0 : i32
    %dma_start3A_50 = arith.constant 0 : i32
    %dma_start3A_51 = tpu.memref_slice %arg6[%dma_start3A_49, %dma_start3A_50] : memref<8x128xf32, #tpu.memory_space<vmem_shared>> -> memref<8x128xf32, #tpu.memory_space<vmem_shared>>
    %dma_start3A_52 = tpu.memref_slice %arg10[%dma_start3A_44] : memref<10x!tpu.dma_semaphore, #tpu.memory_space<semaphore_mem>> -> memref<1x!tpu.dma_semaphore, #tpu.memory_space<semaphore_mem>>
    %dma_start3A_53 = tpu.memref_squeeze %dma_start3A_52 : memref<1x!tpu.dma_semaphore, #tpu.memory_space<semaphore_mem>> -> memref<!tpu.dma_semaphore, #tpu.memory_space<semaphore_mem>>
    tpu.enqueue_indirect_dma source(%dma_start3A_51 : memref<8x128xf32, #tpu.memory_space<vmem_shared>>) target(%dma_start3A_47 : memref<40x128xf32, #tpu.memory_space<vmem>>) offsets(%dma_start3A_48 : memref<40xi32, #tpu.memory_space<vmem>>) semaphore(%dma_start3A_53 : memref<!tpu.dma_semaphore, #tpu.memory_space<semaphore_mem>>)
    %multiple_of3A_54 = arith.constant 160 : i32
    %multiple_of3A_55 = tpu.assume_multiple %multiple_of3A_54, 8 : i32
    %dma_start3A_56 = arith.constant 4 : i32
    %dma_start3A_57 = arith.constant 160 : i32
    %dma_start3A_58 = arith.constant 0 : i32
    %dma_start3A_59 = tpu.memref_slice %arg8[%dma_start3A_57, %dma_start3A_58] : memref<400x128xf32, #tpu.memory_space<vmem>> -> memref<40x128xf32, #tpu.memory_space<vmem>>
    %dma_start3A_60 = tpu.memref_slice %arg7[%multiple_of3A_55] : memref<10000xi32, #tpu.memory_space<vmem>> -> memref<40xi32, #tpu.memory_space<vmem>>
    %dma_start3A_61 = arith.constant 0 : i32
    %dma_start3A_62 = arith.constant 0 : i32
    %dma_start3A_63 = tpu.memref_slice %arg6[%dma_start3A_61, %dma_start3A_62] : memref<8x128xf32, #tpu.memory_space<vmem_shared>> -> memref<8x128xf32, #tpu.memory_space<vmem_shared>>
    %dma_start3A_64 = tpu.memref_slice %arg10[%dma_start3A_56] : memref<10x!tpu.dma_semaphore, #tpu.memory_space<semaphore_mem>> -> memref<1x!tpu.dma_semaphore, #tpu.memory_space<semaphore_mem>>
    %dma_start3A_65 = tpu.memref_squeeze %dma_start3A_64 : memref<1x!tpu.dma_semaphore, #tpu.memory_space<semaphore_mem>> -> memref<!tpu.dma_semaphore, #tpu.memory_space<semaphore_mem>>
    tpu.enqueue_indirect_dma source(%dma_start3A_63 : memref<8x128xf32, #tpu.memory_space<vmem_shared>>) target(%dma_start3A_59 : memref<40x128xf32, #tpu.memory_space<vmem>>) offsets(%dma_start3A_60 : memref<40xi32, #tpu.memory_space<vmem>>) semaphore(%dma_start3A_65 : memref<!tpu.dma_semaphore, #tpu.memory_space<semaphore_mem>>)
    %multiple_of3A_66 = arith.constant 200 : i32
    %multiple_of3A_67 = tpu.assume_multiple %multiple_of3A_66, 8 : i32
    %dma_start3A_68 = arith.constant 5 : i32
    %dma_start3A_69 = arith.constant 200 : i32
    %dma_start3A_70 = arith.constant 0 : i32
    %dma_start3A_71 = tpu.memref_slice %arg8[%dma_start3A_69, %dma_start3A_70] : memref<400x128xf32, #tpu.memory_space<vmem>> -> memref<40x128xf32, #tpu.memory_space<vmem>>
    %dma_start3A_72 = tpu.memref_slice %arg7[%multiple_of3A_67] : memref<10000xi32, #tpu.memory_space<vmem>> -> memref<40xi32, #tpu.memory_space<vmem>>
    %dma_start3A_73 = arith.constant 0 : i32
    %dma_start3A_74 = arith.constant 0 : i32
    %dma_start3A_75 = tpu.memref_slice %arg6[%dma_start3A_73, %dma_start3A_74] : memref<8x128xf32, #tpu.memory_space<vmem_shared>> -> memref<8x128xf32, #tpu.memory_space<vmem_shared>>
    %dma_start3A_76 = tpu.memref_slice %arg10[%dma_start3A_68] : memref<10x!tpu.dma_semaphore, #tpu.memory_space<semaphore_mem>> -> memref<1x!tpu.dma_semaphore, #tpu.memory_space<semaphore_mem>>
    %dma_start3A_77 = tpu.memref_squeeze %dma_start3A_76 : memref<1x!tpu.dma_semaphore, #tpu.memory_space<semaphore_mem>> -> memref<!tpu.dma_semaphore, #tpu.memory_space<semaphore_mem>>
    tpu.enqueue_indirect_dma source(%dma_start3A_75 : memref<8x128xf32, #tpu.memory_space<vmem_shared>>) target(%dma_start3A_71 : memref<40x128xf32, #tpu.memory_space<vmem>>) offsets(%dma_start3A_72 : memref<40xi32, #tpu.memory_space<vmem>>) semaphore(%dma_start3A_77 : memref<!tpu.dma_semaphore, #tpu.memory_space<semaphore_mem>>)
    %multiple_of3A_78 = arith.constant 240 : i32
    %multiple_of3A_79 = tpu.assume_multiple %multiple_of3A_78, 8 : i32
    %dma_start3A_80 = arith.constant 6 : i32
    %dma_start3A_81 = arith.constant 240 : i32
    %dma_start3A_82 = arith.constant 0 : i32
    %dma_start3A_83 = tpu.memref_slice %arg8[%dma_start3A_81, %dma_start3A_82] : memref<400x128xf32, #tpu.memory_space<vmem>> -> memref<40x128xf32, #tpu.memory_space<vmem>>
    %dma_start3A_84 = tpu.memref_slice %arg7[%multiple_of3A_79] : memref<10000xi32, #tpu.memory_space<vmem>> -> memref<40xi32, #tpu.memory_space<vmem>>
    %dma_start3A_85 = arith.constant 0 : i32
    %dma_start3A_86 = arith.constant 0 : i32
    %dma_start3A_87 = tpu.memref_slice %arg6[%dma_start3A_85, %dma_start3A_86] : memref<8x128xf32, #tpu.memory_space<vmem_shared>> -> memref<8x128xf32, #tpu.memory_space<vmem_shared>>
    %dma_start3A_88 = tpu.memref_slice %arg10[%dma_start3A_80] : memref<10x!tpu.dma_semaphore, #tpu.memory_space<semaphore_mem>> -> memref<1x!tpu.dma_semaphore, #tpu.memory_space<semaphore_mem>>
    %dma_start3A_89 = tpu.memref_squeeze %dma_start3A_88 : memref<1x!tpu.dma_semaphore, #tpu.memory_space<semaphore_mem>> -> memref<!tpu.dma_semaphore, #tpu.memory_space<semaphore_mem>>
    tpu.enqueue_indirect_dma source(%dma_start3A_87 : memref<8x128xf32, #tpu.memory_space<vmem_shared>>) target(%dma_start3A_83 : memref<40x128xf32, #tpu.memory_space<vmem>>) offsets(%dma_start3A_84 : memref<40xi32, #tpu.memory_space<vmem>>) semaphore(%dma_start3A_89 : memref<!tpu.dma_semaphore, #tpu.memory_space<semaphore_mem>>)
    %multiple_of3A_90 = arith.constant 280 : i32
    %multiple_of3A_91 = tpu.assume_multiple %multiple_of3A_90, 8 : i32
    %dma_start3A_92 = arith.constant 7 : i32
    %dma_start3A_93 = arith.constant 280 : i32
    %dma_start3A_94 = arith.constant 0 : i32
    %dma_start3A_95 = tpu.memref_slice %arg8[%dma_start3A_93, %dma_start3A_94] : memref<400x128xf32, #tpu.memory_space<vmem>> -> memref<40x128xf32, #tpu.memory_space<vmem>>
    %dma_start3A_96 = tpu.memref_slice %arg7[%multiple_of3A_91] : memref<10000xi32, #tpu.memory_space<vmem>> -> memref<40xi32, #tpu.memory_space<vmem>>
    %dma_start3A_97 = arith.constant 0 : i32
    %dma_start3A_98 = arith.constant 0 : i32
    %dma_start3A_99 = tpu.memref_slice %arg6[%dma_start3A_97, %dma_start3A_98] : memref<8x128xf32, #tpu.memory_space<vmem_shared>> -> memref<8x128xf32, #tpu.memory_space<vmem_shared>>
    %dma_start3A_100 = tpu.memref_slice %arg10[%dma_start3A_92] : memref<10x!tpu.dma_semaphore, #tpu.memory_space<semaphore_mem>> -> memref<1x!tpu.dma_semaphore, #tpu.memory_space<semaphore_mem>>
    %dma_start3A_101 = tpu.memref_squeeze %dma_start3A_100 : memref<1x!tpu.dma_semaphore, #tpu.memory_space<semaphore_mem>> -> memref<!tpu.dma_semaphore, #tpu.memory_space<semaphore_mem>>
    tpu.enqueue_indirect_dma source(%dma_start3A_99 : memref<8x128xf32, #tpu.memory_space<vmem_shared>>) target(%dma_start3A_95 : memref<40x128xf32, #tpu.memory_space<vmem>>) offsets(%dma_start3A_96 : memref<40xi32, #tpu.memory_space<vmem>>) semaphore(%dma_start3A_101 : memref<!tpu.dma_semaphore, #tpu.memory_space<semaphore_mem>>)
    %multiple_of3A_102 = arith.constant 320 : i32
    %multiple_of3A_103 = tpu.assume_multiple %multiple_of3A_102, 8 : i32
    %dma_start3A_104 = arith.constant 8 : i32
    %dma_start3A_105 = arith.constant 320 : i32
    %dma_start3A_106 = arith.constant 0 : i32
    %dma_start3A_107 = tpu.memref_slice %arg8[%dma_start3A_105, %dma_start3A_106] : memref<400x128xf32, #tpu.memory_space<vmem>> -> memref<40x128xf32, #tpu.memory_space<vmem>>
    %dma_start3A_108 = tpu.memref_slice %arg7[%multiple_of3A_103] : memref<10000xi32, #tpu.memory_space<vmem>> -> memref<40xi32, #tpu.memory_space<vmem>>
    %dma_start3A_109 = arith.constant 0 : i32
    %dma_start3A_110 = arith.constant 0 : i32
    %dma_start3A_111 = tpu.memref_slice %arg6[%dma_start3A_109, %dma_start3A_110] : memref<8x128xf32, #tpu.memory_space<vmem_shared>> -> memref<8x128xf32, #tpu.memory_space<vmem_shared>>
    %dma_start3A_112 = tpu.memref_slice %arg10[%dma_start3A_104] : memref<10x!tpu.dma_semaphore, #tpu.memory_space<semaphore_mem>> -> memref<1x!tpu.dma_semaphore, #tpu.memory_space<semaphore_mem>>
    %dma_start3A_113 = tpu.memref_squeeze %dma_start3A_112 : memref<1x!tpu.dma_semaphore, #tpu.memory_space<semaphore_mem>> -> memref<!tpu.dma_semaphore, #tpu.memory_space<semaphore_mem>>
    tpu.enqueue_indirect_dma source(%dma_start3A_111 : memref<8x128xf32, #tpu.memory_space<vmem_shared>>) target(%dma_start3A_107 : memref<40x128xf32, #tpu.memory_space<vmem>>) offsets(%dma_start3A_108 : memref<40xi32, #tpu.memory_space<vmem>>) semaphore(%dma_start3A_113 : memref<!tpu.dma_semaphore, #tpu.memory_space<semaphore_mem>>)
    %multiple_of3A_114 = arith.constant 360 : i32
    %multiple_of3A_115 = tpu.assume_multiple %multiple_of3A_114, 8 : i32
    %dma_start3A_116 = arith.constant 9 : i32
    %dma_start3A_117 = arith.constant 360 : i32
    %dma_start3A_118 = arith.constant 0 : i32
    %dma_start3A_119 = tpu.memref_slice %arg8[%dma_start3A_117, %dma_start3A_118] : memref<400x128xf32, #tpu.memory_space<vmem>> -> memref<40x128xf32, #tpu.memory_space<vmem>>
    %dma_start3A_120 = tpu.memref_slice %arg7[%multiple_of3A_115] : memref<10000xi32, #tpu.memory_space<vmem>> -> memref<40xi32, #tpu.memory_space<vmem>>
    %dma_start3A_121 = arith.constant 0 : i32
    %dma_start3A_122 = arith.constant 0 : i32
    %dma_start3A_123 = tpu.memref_slice %arg6[%dma_start3A_121, %dma_start3A_122] : memref<8x128xf32, #tpu.memory_space<vmem_shared>> -> memref<8x128xf32, #tpu.memory_space<vmem_shared>>
    %dma_start3A_124 = tpu.memref_slice %arg10[%dma_start3A_116] : memref<10x!tpu.dma_semaphore, #tpu.memory_space<semaphore_mem>> -> memref<1x!tpu.dma_semaphore, #tpu.memory_space<semaphore_mem>>
    %dma_start3A_125 = tpu.memref_squeeze %dma_start3A_124 : memref<1x!tpu.dma_semaphore, #tpu.memory_space<semaphore_mem>> -> memref<!tpu.dma_semaphore, #tpu.memory_space<semaphore_mem>>
    tpu.enqueue_indirect_dma source(%dma_start3A_123 : memref<8x128xf32, #tpu.memory_space<vmem_shared>>) target(%dma_start3A_119 : memref<40x128xf32, #tpu.memory_space<vmem>>) offsets(%dma_start3A_120 : memref<40xi32, #tpu.memory_space<vmem>>) semaphore(%dma_start3A_125 : memref<!tpu.dma_semaphore, #tpu.memory_space<semaphore_mem>>)
    %multiple_of3A_126 = arith.constant 0 : i32
    %multiple_of3A_127 = tpu.assume_multiple %multiple_of3A_126, 8 : i32
    %dma_wait3A_128 = arith.constant 0 : i32
    %dma_wait3A_129 = arith.constant 0 : i32
    %dma_wait3A_130 = arith.constant 0 : i32
    %dma_wait3A_131 = tpu.memref_slice %arg8[%dma_wait3A_129, %dma_wait3A_130] : memref<400x128xf32, #tpu.memory_space<vmem>> -> memref<40x128xf32, #tpu.memory_space<vmem>>
    %dma_wait3A_132 = tpu.memref_slice %arg7[%multiple_of3A_127] : memref<10000xi32, #tpu.memory_space<vmem>> -> memref<40xi32, #tpu.memory_space<vmem>>
    %dma_wait3A_133 = arith.constant 0 : i32
    %dma_wait3A_134 = arith.constant 0 : i32
    %dma_wait3A_135 = tpu.memref_slice %arg6[%dma_wait3A_133, %dma_wait3A_134] : memref<8x128xf32, #tpu.memory_space<vmem_shared>> -> memref<8x128xf32, #tpu.memory_space<vmem_shared>>
    %dma_wait3A_136 = tpu.memref_slice %arg10[%dma_wait3A_128] : memref<10x!tpu.dma_semaphore, #tpu.memory_space<semaphore_mem>> -> memref<1x!tpu.dma_semaphore, #tpu.memory_space<semaphore_mem>>
    %dma_wait3A_137 = tpu.memref_squeeze %dma_wait3A_136 : memref<1x!tpu.dma_semaphore, #tpu.memory_space<semaphore_mem>> -> memref<!tpu.dma_semaphore, #tpu.memory_space<semaphore_mem>>
    tpu.wait_indirect_dma semaphore(%dma_wait3A_137 : memref<!tpu.dma_semaphore, #tpu.memory_space<semaphore_mem>>) src(%dma_wait3A_135 : memref<8x128xf32, #tpu.memory_space<vmem_shared>>) dst(%dma_wait3A_131 : memref<40x128xf32, #tpu.memory_space<vmem>>)
    %add3A_138 = arith.constant 0 : i32
    %add3A_139 = arith.addi %mul3A_2, %add3A_138 : i32
    %multiple_of3A_140 = tpu.assume_multiple %add3A_139, 8 : i32
    %dma_start3A_141 = arith.constant 0 : i32
    %dma_start3A_142 = arith.constant 0 : i32
    %dma_start3A_143 = arith.constant 0 : i32
    %dma_start3A_144 = tpu.memref_slice %arg8[%dma_start3A_142, %dma_start3A_143] : memref<400x128xf32, #tpu.memory_space<vmem>> -> memref<40x128xf32, #tpu.memory_space<vmem>>
    %dma_start3A_145 = arith.constant 0 : i32
    %dma_start3A_146 = tpu.memref_slice %arg4[%multiple_of3A_140, %dma_start3A_145] : memref<320000x128xf32, #tpu.memory_space<hbm>> -> memref<40x128xf32, #tpu.memory_space<hbm>>
    %dma_start3A_147 = tpu.memref_slice %arg11[%dma_start3A_141] : memref<10x!tpu.dma_semaphore, #tpu.memory_space<semaphore_mem>> -> memref<1x!tpu.dma_semaphore, #tpu.memory_space<semaphore_mem>>
    %dma_start3A_148 = tpu.memref_squeeze %dma_start3A_147 : memref<1x!tpu.dma_semaphore, #tpu.memory_space<semaphore_mem>> -> memref<!tpu.dma_semaphore, #tpu.memory_space<semaphore_mem>>
    %dma_start3A_149 = arith.constant 0 : i32
    %dma_start3A_150 = tpu.memref_slice %arg4[%multiple_of3A_140, %dma_start3A_149] : memref<320000x128xf32, #tpu.memory_space<hbm>> -> memref<40x128xf32, #tpu.memory_space<hbm>>
    %dma_start3A_151 = arith.constant 0 : i32
    %dma_start3A_152 = arith.constant 0 : i32
    %dma_start3A_153 = tpu.memref_slice %arg8[%dma_start3A_151, %dma_start3A_152] : memref<400x128xf32, #tpu.memory_space<vmem>> -> memref<40x128xf32, #tpu.memory_space<vmem>>
    tpu.enqueue_dma source(%dma_start3A_153 : memref<40x128xf32, #tpu.memory_space<vmem>>) target(%dma_start3A_150 : memref<40x128xf32, #tpu.memory_space<hbm>>) target_semaphore(%dma_start3A_148 : memref<!tpu.dma_semaphore, #tpu.memory_space<semaphore_mem>>)
    %multiple_of3A_154 = arith.constant 40 : i32
    %multiple_of3A_155 = tpu.assume_multiple %multiple_of3A_154, 8 : i32
    %dma_wait3A_156 = arith.constant 1 : i32
    %dma_wait3A_157 = arith.constant 40 : i32
    %dma_wait3A_158 = arith.constant 0 : i32
    %dma_wait3A_159 = tpu.memref_slice %arg8[%dma_wait3A_157, %dma_wait3A_158] : memref<400x128xf32, #tpu.memory_space<vmem>> -> memref<40x128xf32, #tpu.memory_space<vmem>>
    %dma_wait3A_160 = tpu.memref_slice %arg7[%multiple_of3A_155] : memref<10000xi32, #tpu.memory_space<vmem>> -> memref<40xi32, #tpu.memory_space<vmem>>
    %dma_wait3A_161 = arith.constant 0 : i32
    %dma_wait3A_162 = arith.constant 0 : i32
    %dma_wait3A_163 = tpu.memref_slice %arg6[%dma_wait3A_161, %dma_wait3A_162] : memref<8x128xf32, #tpu.memory_space<vmem_shared>> -> memref<8x128xf32, #tpu.memory_space<vmem_shared>>
    %dma_wait3A_164 = tpu.memref_slice %arg10[%dma_wait3A_156] : memref<10x!tpu.dma_semaphore, #tpu.memory_space<semaphore_mem>> -> memref<1x!tpu.dma_semaphore, #tpu.memory_space<semaphore_mem>>
    %dma_wait3A_165 = tpu.memref_squeeze %dma_wait3A_164 : memref<1x!tpu.dma_semaphore, #tpu.memory_space<semaphore_mem>> -> memref<!tpu.dma_semaphore, #tpu.memory_space<semaphore_mem>>
    tpu.wait_indirect_dma semaphore(%dma_wait3A_165 : memref<!tpu.dma_semaphore, #tpu.memory_space<semaphore_mem>>) src(%dma_wait3A_163 : memref<8x128xf32, #tpu.memory_space<vmem_shared>>) dst(%dma_wait3A_159 : memref<40x128xf32, #tpu.memory_space<vmem>>)
    %add3A_166 = arith.constant 40 : i32
    %add3A_167 = arith.addi %mul3A_2, %add3A_166 : i32
    %multiple_of3A_168 = tpu.assume_multiple %add3A_167, 8 : i32
    %dma_start3A_169 = arith.constant 1 : i32
    %dma_start3A_170 = arith.constant 40 : i32
    %dma_start3A_171 = arith.constant 0 : i32
    %dma_start3A_172 = tpu.memref_slice %arg8[%dma_start3A_170, %dma_start3A_171] : memref<400x128xf32, #tpu.memory_space<vmem>> -> memref<40x128xf32, #tpu.memory_space<vmem>>
    %dma_start3A_173 = arith.constant 0 : i32
    %dma_start3A_174 = tpu.memref_slice %arg4[%multiple_of3A_168, %dma_start3A_173] : memref<320000x128xf32, #tpu.memory_space<hbm>> -> memref<40x128xf32, #tpu.memory_space<hbm>>
    %dma_start3A_175 = tpu.memref_slice %arg11[%dma_start3A_169] : memref<10x!tpu.dma_semaphore, #tpu.memory_space<semaphore_mem>> -> memref<1x!tpu.dma_semaphore, #tpu.memory_space<semaphore_mem>>
    %dma_start3A_176 = tpu.memref_squeeze %dma_start3A_175 : memref<1x!tpu.dma_semaphore, #tpu.memory_space<semaphore_mem>> -> memref<!tpu.dma_semaphore, #tpu.memory_space<semaphore_mem>>
    %dma_start3A_177 = arith.constant 0 : i32
    %dma_start3A_178 = tpu.memref_slice %arg4[%multiple_of3A_168, %dma_start3A_177] : memref<320000x128xf32, #tpu.memory_space<hbm>> -> memref<40x128xf32, #tpu.memory_space<hbm>>
    %dma_start3A_179 = arith.constant 40 : i32
    %dma_start3A_180 = arith.constant 0 : i32
    %dma_start3A_181 = tpu.memref_slice %arg8[%dma_start3A_179, %dma_start3A_180] : memref<400x128xf32, #tpu.memory_space<vmem>> -> memref<40x128xf32, #tpu.memory_space<vmem>>
    tpu.enqueue_dma source(%dma_start3A_181 : memref<40x128xf32, #tpu.memory_space<vmem>>) target(%dma_start3A_178 : memref<40x128xf32, #tpu.memory_space<hbm>>) target_semaphore(%dma_start3A_176 : memref<!tpu.dma_semaphore, #tpu.memory_space<semaphore_mem>>)
    %multiple_of3A_182 = arith.constant 80 : i32
    %multiple_of3A_183 = tpu.assume_multiple %multiple_of3A_182, 8 : i32
    %dma_wait3A_184 = arith.constant 2 : i32
    %dma_wait3A_185 = arith.constant 80 : i32
    %dma_wait3A_186 = arith.constant 0 : i32
    %dma_wait3A_187 = tpu.memref_slice %arg8[%dma_wait3A_185, %dma_wait3A_186] : memref<400x128xf32, #tpu.memory_space<vmem>> -> memref<40x128xf32, #tpu.memory_space<vmem>>
    %dma_wait3A_188 = tpu.memref_slice %arg7[%multiple_of3A_183] : memref<10000xi32, #tpu.memory_space<vmem>> -> memref<40xi32, #tpu.memory_space<vmem>>
    %dma_wait3A_189 = arith.constant 0 : i32
    %dma_wait3A_190 = arith.constant 0 : i32
    %dma_wait3A_191 = tpu.memref_slice %arg6[%dma_wait3A_189, %dma_wait3A_190] : memref<8x128xf32, #tpu.memory_space<vmem_shared>> -> memref<8x128xf32, #tpu.memory_space<vmem_shared>>
    %dma_wait3A_192 = tpu.memref_slice %arg10[%dma_wait3A_184] : memref<10x!tpu.dma_semaphore, #tpu.memory_space<semaphore_mem>> -> memref<1x!tpu.dma_semaphore, #tpu.memory_space<semaphore_mem>>
    %dma_wait3A_193 = tpu.memref_squeeze %dma_wait3A_192 : memref<1x!tpu.dma_semaphore, #tpu.memory_space<semaphore_mem>> -> memref<!tpu.dma_semaphore, #tpu.memory_space<semaphore_mem>>
    tpu.wait_indirect_dma semaphore(%dma_wait3A_193 : memref<!tpu.dma_semaphore, #tpu.memory_space<semaphore_mem>>) src(%dma_wait3A_191 : memref<8x128xf32, #tpu.memory_space<vmem_shared>>) dst(%dma_wait3A_187 : memref<40x128xf32, #tpu.memory_space<vmem>>)
    %add3A_194 = arith.constant 80 : i32
    %add3A_195 = arith.addi %mul3A_2, %add3A_194 : i32
    %multiple_of3A_196 = tpu.assume_multiple %add3A_195, 8 : i32
    %dma_start3A_197 = arith.constant 2 : i32
    %dma_start3A_198 = arith.constant 80 : i32
    %dma_start3A_199 = arith.constant 0 : i32
    %dma_start3A_200 = tpu.memref_slice %arg8[%dma_start3A_198, %dma_start3A_199] : memref<400x128xf32, #tpu.memory_space<vmem>> -> memref<40x128xf32, #tpu.memory_space<vmem>>
    %dma_start3A_201 = arith.constant 0 : i32
    %dma_start3A_202 = tpu.memref_slice %arg4[%multiple_of3A_196, %dma_start3A_201] : memref<320000x128xf32, #tpu.memory_space<hbm>> -> memref<40x128xf32, #tpu.memory_space<hbm>>
    %dma_start3A_203 = tpu.memref_slice %arg11[%dma_start3A_197] : memref<10x!tpu.dma_semaphore, #tpu.memory_space<semaphore_mem>> -> memref<1x!tpu.dma_semaphore, #tpu.memory_space<semaphore_mem>>
    %dma_start3A_204 = tpu.memref_squeeze %dma_start3A_203 : memref<1x!tpu.dma_semaphore, #tpu.memory_space<semaphore_mem>> -> memref<!tpu.dma_semaphore, #tpu.memory_space<semaphore_mem>>
    %dma_start3A_205 = arith.constant 0 : i32
    %dma_start3A_206 = tpu.memref_slice %arg4[%multiple_of3A_196, %dma_start3A_205] : memref<320000x128xf32, #tpu.memory_space<hbm>> -> memref<40x128xf32, #tpu.memory_space<hbm>>
    %dma_start3A_207 = arith.constant 80 : i32
    %dma_start3A_208 = arith.constant 0 : i32
    %dma_start3A_209 = tpu.memref_slice %arg8[%dma_start3A_207, %dma_start3A_208] : memref<400x128xf32, #tpu.memory_space<vmem>> -> memref<40x128xf32, #tpu.memory_space<vmem>>
    tpu.enqueue_dma source(%dma_start3A_209 : memref<40x128xf32, #tpu.memory_space<vmem>>) target(%dma_start3A_206 : memref<40x128xf32, #tpu.memory_space<hbm>>) target_semaphore(%dma_start3A_204 : memref<!tpu.dma_semaphore, #tpu.memory_space<semaphore_mem>>)
    %multiple_of3A_210 = arith.constant 120 : i32
    %multiple_of3A_211 = tpu.assume_multiple %multiple_of3A_210, 8 : i32
    %dma_wait3A_212 = arith.constant 3 : i32
    %dma_wait3A_213 = arith.constant 120 : i32
    %dma_wait3A_214 = arith.constant 0 : i32
    %dma_wait3A_215 = tpu.memref_slice %arg8[%dma_wait3A_213, %dma_wait3A_214] : memref<400x128xf32, #tpu.memory_space<vmem>> -> memref<40x128xf32, #tpu.memory_space<vmem>>
    %dma_wait3A_216 = tpu.memref_slice %arg7[%multiple_of3A_211] : memref<10000xi32, #tpu.memory_space<vmem>> -> memref<40xi32, #tpu.memory_space<vmem>>
    %dma_wait3A_217 = arith.constant 0 : i32
    %dma_wait3A_218 = arith.constant 0 : i32
    %dma_wait3A_219 = tpu.memref_slice %arg6[%dma_wait3A_217, %dma_wait3A_218] : memref<8x128xf32, #tpu.memory_space<vmem_shared>> -> memref<8x128xf32, #tpu.memory_space<vmem_shared>>
    %dma_wait3A_220 = tpu.memref_slice %arg10[%dma_wait3A_212] : memref<10x!tpu.dma_semaphore, #tpu.memory_space<semaphore_mem>> -> memref<1x!tpu.dma_semaphore, #tpu.memory_space<semaphore_mem>>
    %dma_wait3A_221 = tpu.memref_squeeze %dma_wait3A_220 : memref<1x!tpu.dma_semaphore, #tpu.memory_space<semaphore_mem>> -> memref<!tpu.dma_semaphore, #tpu.memory_space<semaphore_mem>>
    tpu.wait_indirect_dma semaphore(%dma_wait3A_221 : memref<!tpu.dma_semaphore, #tpu.memory_space<semaphore_mem>>) src(%dma_wait3A_219 : memref<8x128xf32, #tpu.memory_space<vmem_shared>>) dst(%dma_wait3A_215 : memref<40x128xf32, #tpu.memory_space<vmem>>)
    %add3A_222 = arith.constant 120 : i32
    %add3A_223 = arith.addi %mul3A_2, %add3A_222 : i32
    %multiple_of3A_224 = tpu.assume_multiple %add3A_223, 8 : i32
    %dma_start3A_225 = arith.constant 3 : i32
    %dma_start3A_226 = arith.constant 120 : i32
    %dma_start3A_227 = arith.constant 0 : i32
    %dma_start3A_228 = tpu.memref_slice %arg8[%dma_start3A_226, %dma_start3A_227] : memref<400x128xf32, #tpu.memory_space<vmem>> -> memref<40x128xf32, #tpu.memory_space<vmem>>
    %dma_start3A_229 = arith.constant 0 : i32
    %dma_start3A_230 = tpu.memref_slice %arg4[%multiple_of3A_224, %dma_start3A_229] : memref<320000x128xf32, #tpu.memory_space<hbm>> -> memref<40x128xf32, #tpu.memory_space<hbm>>
    %dma_start3A_231 = tpu.memref_slice %arg11[%dma_start3A_225] : memref<10x!tpu.dma_semaphore, #tpu.memory_space<semaphore_mem>> -> memref<1x!tpu.dma_semaphore, #tpu.memory_space<semaphore_mem>>
    %dma_start3A_232 = tpu.memref_squeeze %dma_start3A_231 : memref<1x!tpu.dma_semaphore, #tpu.memory_space<semaphore_mem>> -> memref<!tpu.dma_semaphore, #tpu.memory_space<semaphore_mem>>
    %dma_start3A_233 = arith.constant 0 : i32
    %dma_start3A_234 = tpu.memref_slice %arg4[%multiple_of3A_224, %dma_start3A_233] : memref<320000x128xf32, #tpu.memory_space<hbm>> -> memref<40x128xf32, #tpu.memory_space<hbm>>
    %dma_start3A_235 = arith.constant 120 : i32
    %dma_start3A_236 = arith.constant 0 : i32
    %dma_start3A_237 = tpu.memref_slice %arg8[%dma_start3A_235, %dma_start3A_236] : memref<400x128xf32, #tpu.memory_space<vmem>> -> memref<40x128xf32, #tpu.memory_space<vmem>>
    tpu.enqueue_dma source(%dma_start3A_237 : memref<40x128xf32, #tpu.memory_space<vmem>>) target(%dma_start3A_234 : memref<40x128xf32, #tpu.memory_space<hbm>>) target_semaphore(%dma_start3A_232 : memref<!tpu.dma_semaphore, #tpu.memory_space<semaphore_mem>>)
    %multiple_of3A_238 = arith.constant 160 : i32
    %multiple_of3A_239 = tpu.assume_multiple %multiple_of3A_238, 8 : i32
    %dma_wait3A_240 = arith.constant 4 : i32
    %dma_wait3A_241 = arith.constant 160 : i32
    %dma_wait3A_242 = arith.constant 0 : i32
    %dma_wait3A_243 = tpu.memref_slice %arg8[%dma_wait3A_241, %dma_wait3A_242] : memref<400x128xf32, #tpu.memory_space<vmem>> -> memref<40x128xf32, #tpu.memory_space<vmem>>
    %dma_wait3A_244 = tpu.memref_slice %arg7[%multiple_of3A_239] : memref<10000xi32, #tpu.memory_space<vmem>> -> memref<40xi32, #tpu.memory_space<vmem>>
    %dma_wait3A_245 = arith.constant 0 : i32
    %dma_wait3A_246 = arith.constant 0 : i32
    %dma_wait3A_247 = tpu.memref_slice %arg6[%dma_wait3A_245, %dma_wait3A_246] : memref<8x128xf32, #tpu.memory_space<vmem_shared>> -> memref<8x128xf32, #tpu.memory_space<vmem_shared>>
    %dma_wait3A_248 = tpu.memref_slice %arg10[%dma_wait3A_240] : memref<10x!tpu.dma_semaphore, #tpu.memory_space<semaphore_mem>> -> memref<1x!tpu.dma_semaphore, #tpu.memory_space<semaphore_mem>>
    %dma_wait3A_249 = tpu.memref_squeeze %dma_wait3A_248 : memref<1x!tpu.dma_semaphore, #tpu.memory_space<semaphore_mem>> -> memref<!tpu.dma_semaphore, #tpu.memory_space<semaphore_mem>>
    tpu.wait_indirect_dma semaphore(%dma_wait3A_249 : memref<!tpu.dma_semaphore, #tpu.memory_space<semaphore_mem>>) src(%dma_wait3A_247 : memref<8x128xf32, #tpu.memory_space<vmem_shared>>) dst(%dma_wait3A_243 : memref<40x128xf32, #tpu.memory_space<vmem>>)
    %add3A_250 = arith.constant 160 : i32
    %add3A_251 = arith.addi %mul3A_2, %add3A_250 : i32
    %multiple_of3A_252 = tpu.assume_multiple %add3A_251, 8 : i32
    %dma_start3A_253 = arith.constant 4 : i32
    %dma_start3A_254 = arith.constant 160 : i32
    %dma_start3A_255 = arith.constant 0 : i32
    %dma_start3A_256 = tpu.memref_slice %arg8[%dma_start3A_254, %dma_start3A_255] : memref<400x128xf32, #tpu.memory_space<vmem>> -> memref<40x128xf32, #tpu.memory_space<vmem>>
    %dma_start3A_257 = arith.constant 0 : i32
    %dma_start3A_258 = tpu.memref_slice %arg4[%multiple_of3A_252, %dma_start3A_257] : memref<320000x128xf32, #tpu.memory_space<hbm>> -> memref<40x128xf32, #tpu.memory_space<hbm>>
    %dma_start3A_259 = tpu.memref_slice %arg11[%dma_start3A_253] : memref<10x!tpu.dma_semaphore, #tpu.memory_space<semaphore_mem>> -> memref<1x!tpu.dma_semaphore, #tpu.memory_space<semaphore_mem>>
    %dma_start3A_260 = tpu.memref_squeeze %dma_start3A_259 : memref<1x!tpu.dma_semaphore, #tpu.memory_space<semaphore_mem>> -> memref<!tpu.dma_semaphore, #tpu.memory_space<semaphore_mem>>
    %dma_start3A_261 = arith.constant 0 : i32
    %dma_start3A_262 = tpu.memref_slice %arg4[%multiple_of3A_252, %dma_start3A_261] : memref<320000x128xf32, #tpu.memory_space<hbm>> -> memref<40x128xf32, #tpu.memory_space<hbm>>
    %dma_start3A_263 = arith.constant 160 : i32
    %dma_start3A_264 = arith.constant 0 : i32
    %dma_start3A_265 = tpu.memref_slice %arg8[%dma_start3A_263, %dma_start3A_264] : memref<400x128xf32, #tpu.memory_space<vmem>> -> memref<40x128xf32, #tpu.memory_space<vmem>>
    tpu.enqueue_dma source(%dma_start3A_265 : memref<40x128xf32, #tpu.memory_space<vmem>>) target(%dma_start3A_262 : memref<40x128xf32, #tpu.memory_space<hbm>>) target_semaphore(%dma_start3A_260 : memref<!tpu.dma_semaphore, #tpu.memory_space<semaphore_mem>>)
    %multiple_of3A_266 = arith.constant 200 : i32
    %multiple_of3A_267 = tpu.assume_multiple %multiple_of3A_266, 8 : i32
    %dma_wait3A_268 = arith.constant 5 : i32
    %dma_wait3A_269 = arith.constant 200 : i32
    %dma_wait3A_270 = arith.constant 0 : i32
    %dma_wait3A_271 = tpu.memref_slice %arg8[%dma_wait3A_269, %dma_wait3A_270] : memref<400x128xf32, #tpu.memory_space<vmem>> -> memref<40x128xf32, #tpu.memory_space<vmem>>
    %dma_wait3A_272 = tpu.memref_slice %arg7[%multiple_of3A_267] : memref<10000xi32, #tpu.memory_space<vmem>> -> memref<40xi32, #tpu.memory_space<vmem>>
    %dma_wait3A_273 = arith.constant 0 : i32
    %dma_wait3A_274 = arith.constant 0 : i32
    %dma_wait3A_275 = tpu.memref_slice %arg6[%dma_wait3A_273, %dma_wait3A_274] : memref<8x128xf32, #tpu.memory_space<vmem_shared>> -> memref<8x128xf32, #tpu.memory_space<vmem_shared>>
    %dma_wait3A_276 = tpu.memref_slice %arg10[%dma_wait3A_268] : memref<10x!tpu.dma_semaphore, #tpu.memory_space<semaphore_mem>> -> memref<1x!tpu.dma_semaphore, #tpu.memory_space<semaphore_mem>>
    %dma_wait3A_277 = tpu.memref_squeeze %dma_wait3A_276 : memref<1x!tpu.dma_semaphore, #tpu.memory_space<semaphore_mem>> -> memref<!tpu.dma_semaphore, #tpu.memory_space<semaphore_mem>>
    tpu.wait_indirect_dma semaphore(%dma_wait3A_277 : memref<!tpu.dma_semaphore, #tpu.memory_space<semaphore_mem>>) src(%dma_wait3A_275 : memref<8x128xf32, #tpu.memory_space<vmem_shared>>) dst(%dma_wait3A_271 : memref<40x128xf32, #tpu.memory_space<vmem>>)
    %add3A_278 = arith.constant 200 : i32
    %add3A_279 = arith.addi %mul3A_2, %add3A_278 : i32
    %multiple_of3A_280 = tpu.assume_multiple %add3A_279, 8 : i32
    %dma_start3A_281 = arith.constant 5 : i32
    %dma_start3A_282 = arith.constant 200 : i32
    %dma_start3A_283 = arith.constant 0 : i32
    %dma_start3A_284 = tpu.memref_slice %arg8[%dma_start3A_282, %dma_start3A_283] : memref<400x128xf32, #tpu.memory_space<vmem>> -> memref<40x128xf32, #tpu.memory_space<vmem>>
    %dma_start3A_285 = arith.constant 0 : i32
    %dma_start3A_286 = tpu.memref_slice %arg4[%multiple_of3A_280, %dma_start3A_285] : memref<320000x128xf32, #tpu.memory_space<hbm>> -> memref<40x128xf32, #tpu.memory_space<hbm>>
    %dma_start3A_287 = tpu.memref_slice %arg11[%dma_start3A_281] : memref<10x!tpu.dma_semaphore, #tpu.memory_space<semaphore_mem>> -> memref<1x!tpu.dma_semaphore, #tpu.memory_space<semaphore_mem>>
    %dma_start3A_288 = tpu.memref_squeeze %dma_start3A_287 : memref<1x!tpu.dma_semaphore, #tpu.memory_space<semaphore_mem>> -> memref<!tpu.dma_semaphore, #tpu.memory_space<semaphore_mem>>
    %dma_start3A_289 = arith.constant 0 : i32
    %dma_start3A_290 = tpu.memref_slice %arg4[%multiple_of3A_280, %dma_start3A_289] : memref<320000x128xf32, #tpu.memory_space<hbm>> -> memref<40x128xf32, #tpu.memory_space<hbm>>
    %dma_start3A_291 = arith.constant 200 : i32
    %dma_start3A_292 = arith.constant 0 : i32
    %dma_start3A_293 = tpu.memref_slice %arg8[%dma_start3A_291, %dma_start3A_292] : memref<400x128xf32, #tpu.memory_space<vmem>> -> memref<40x128xf32, #tpu.memory_space<vmem>>
    tpu.enqueue_dma source(%dma_start3A_293 : memref<40x128xf32, #tpu.memory_space<vmem>>) target(%dma_start3A_290 : memref<40x128xf32, #tpu.memory_space<hbm>>) target_semaphore(%dma_start3A_288 : memref<!tpu.dma_semaphore, #tpu.memory_space<semaphore_mem>>)
    %multiple_of3A_294 = arith.constant 240 : i32
    %multiple_of3A_295 = tpu.assume_multiple %multiple_of3A_294, 8 : i32
    %dma_wait3A_296 = arith.constant 6 : i32
    %dma_wait3A_297 = arith.constant 240 : i32
    %dma_wait3A_298 = arith.constant 0 : i32
    %dma_wait3A_299 = tpu.memref_slice %arg8[%dma_wait3A_297, %dma_wait3A_298] : memref<400x128xf32, #tpu.memory_space<vmem>> -> memref<40x128xf32, #tpu.memory_space<vmem>>
    %dma_wait3A_300 = tpu.memref_slice %arg7[%multiple_of3A_295] : memref<10000xi32, #tpu.memory_space<vmem>> -> memref<40xi32, #tpu.memory_space<vmem>>
    %dma_wait3A_301 = arith.constant 0 : i32
    %dma_wait3A_302 = arith.constant 0 : i32
    %dma_wait3A_303 = tpu.memref_slice %arg6[%dma_wait3A_301, %dma_wait3A_302] : memref<8x128xf32, #tpu.memory_space<vmem_shared>> -> memref<8x128xf32, #tpu.memory_space<vmem_shared>>
    %dma_wait3A_304 = tpu.memref_slice %arg10[%dma_wait3A_296] : memref<10x!tpu.dma_semaphore, #tpu.memory_space<semaphore_mem>> -> memref<1x!tpu.dma_semaphore, #tpu.memory_space<semaphore_mem>>
    %dma_wait3A_305 = tpu.memref_squeeze %dma_wait3A_304 : memref<1x!tpu.dma_semaphore, #tpu.memory_space<semaphore_mem>> -> memref<!tpu.dma_semaphore, #tpu.memory_space<semaphore_mem>>
    tpu.wait_indirect_dma semaphore(%dma_wait3A_305 : memref<!tpu.dma_semaphore, #tpu.memory_space<semaphore_mem>>) src(%dma_wait3A_303 : memref<8x128xf32, #tpu.memory_space<vmem_shared>>) dst(%dma_wait3A_299 : memref<40x128xf32, #tpu.memory_space<vmem>>)
    %add3A_306 = arith.constant 240 : i32
    %add3A_307 = arith.addi %mul3A_2, %add3A_306 : i32
    %multiple_of3A_308 = tpu.assume_multiple %add3A_307, 8 : i32
    %dma_start3A_309 = arith.constant 6 : i32
    %dma_start3A_310 = arith.constant 240 : i32
    %dma_start3A_311 = arith.constant 0 : i32
    %dma_start3A_312 = tpu.memref_slice %arg8[%dma_start3A_310, %dma_start3A_311] : memref<400x128xf32, #tpu.memory_space<vmem>> -> memref<40x128xf32, #tpu.memory_space<vmem>>
    %dma_start3A_313 = arith.constant 0 : i32
    %dma_start3A_314 = tpu.memref_slice %arg4[%multiple_of3A_308, %dma_start3A_313] : memref<320000x128xf32, #tpu.memory_space<hbm>> -> memref<40x128xf32, #tpu.memory_space<hbm>>
    %dma_start3A_315 = tpu.memref_slice %arg11[%dma_start3A_309] : memref<10x!tpu.dma_semaphore, #tpu.memory_space<semaphore_mem>> -> memref<1x!tpu.dma_semaphore, #tpu.memory_space<semaphore_mem>>
    %dma_start3A_316 = tpu.memref_squeeze %dma_start3A_315 : memref<1x!tpu.dma_semaphore, #tpu.memory_space<semaphore_mem>> -> memref<!tpu.dma_semaphore, #tpu.memory_space<semaphore_mem>>
    %dma_start3A_317 = arith.constant 0 : i32
    %dma_start3A_318 = tpu.memref_slice %arg4[%multiple_of3A_308, %dma_start3A_317] : memref<320000x128xf32, #tpu.memory_space<hbm>> -> memref<40x128xf32, #tpu.memory_space<hbm>>
    %dma_start3A_319 = arith.constant 240 : i32
    %dma_start3A_320 = arith.constant 0 : i32
    %dma_start3A_321 = tpu.memref_slice %arg8[%dma_start3A_319, %dma_start3A_320] : memref<400x128xf32, #tpu.memory_space<vmem>> -> memref<40x128xf32, #tpu.memory_space<vmem>>
    tpu.enqueue_dma source(%dma_start3A_321 : memref<40x128xf32, #tpu.memory_space<vmem>>) target(%dma_start3A_318 : memref<40x128xf32, #tpu.memory_space<hbm>>) target_semaphore(%dma_start3A_316 : memref<!tpu.dma_semaphore, #tpu.memory_space<semaphore_mem>>)
    %multiple_of3A_322 = arith.constant 280 : i32
    %multiple_of3A_323 = tpu.assume_multiple %multiple_of3A_322, 8 : i32
    %dma_wait3A_324 = arith.constant 7 : i32
    %dma_wait3A_325 = arith.constant 280 : i32
    %dma_wait3A_326 = arith.constant 0 : i32
    %dma_wait3A_327 = tpu.memref_slice %arg8[%dma_wait3A_325, %dma_wait3A_326] : memref<400x128xf32, #tpu.memory_space<vmem>> -> memref<40x128xf32, #tpu.memory_space<vmem>>
    %dma_wait3A_328 = tpu.memref_slice %arg7[%multiple_of3A_323] : memref<10000xi32, #tpu.memory_space<vmem>> -> memref<40xi32, #tpu.memory_space<vmem>>
    %dma_wait3A_329 = arith.constant 0 : i32
    %dma_wait3A_330 = arith.constant 0 : i32
    %dma_wait3A_331 = tpu.memref_slice %arg6[%dma_wait3A_329, %dma_wait3A_330] : memref<8x128xf32, #tpu.memory_space<vmem_shared>> -> memref<8x128xf32, #tpu.memory_space<vmem_shared>>
    %dma_wait3A_332 = tpu.memref_slice %arg10[%dma_wait3A_324] : memref<10x!tpu.dma_semaphore, #tpu.memory_space<semaphore_mem>> -> memref<1x!tpu.dma_semaphore, #tpu.memory_space<semaphore_mem>>
    %dma_wait3A_333 = tpu.memref_squeeze %dma_wait3A_332 : memref<1x!tpu.dma_semaphore, #tpu.memory_space<semaphore_mem>> -> memref<!tpu.dma_semaphore, #tpu.memory_space<semaphore_mem>>
    tpu.wait_indirect_dma semaphore(%dma_wait3A_333 : memref<!tpu.dma_semaphore, #tpu.memory_space<semaphore_mem>>) src(%dma_wait3A_331 : memref<8x128xf32, #tpu.memory_space<vmem_shared>>) dst(%dma_wait3A_327 : memref<40x128xf32, #tpu.memory_space<vmem>>)
    %add3A_334 = arith.constant 280 : i32
    %add3A_335 = arith.addi %mul3A_2, %add3A_334 : i32
    %multiple_of3A_336 = tpu.assume_multiple %add3A_335, 8 : i32
    %dma_start3A_337 = arith.constant 7 : i32
    %dma_start3A_338 = arith.constant 280 : i32
    %dma_start3A_339 = arith.constant 0 : i32
    %dma_start3A_340 = tpu.memref_slice %arg8[%dma_start3A_338, %dma_start3A_339] : memref<400x128xf32, #tpu.memory_space<vmem>> -> memref<40x128xf32, #tpu.memory_space<vmem>>
    %dma_start3A_341 = arith.constant 0 : i32
    %dma_start3A_342 = tpu.memref_slice %arg4[%multiple_of3A_336, %dma_start3A_341] : memref<320000x128xf32, #tpu.memory_space<hbm>> -> memref<40x128xf32, #tpu.memory_space<hbm>>
    %dma_start3A_343 = tpu.memref_slice %arg11[%dma_start3A_337] : memref<10x!tpu.dma_semaphore, #tpu.memory_space<semaphore_mem>> -> memref<1x!tpu.dma_semaphore, #tpu.memory_space<semaphore_mem>>
    %dma_start3A_344 = tpu.memref_squeeze %dma_start3A_343 : memref<1x!tpu.dma_semaphore, #tpu.memory_space<semaphore_mem>> -> memref<!tpu.dma_semaphore, #tpu.memory_space<semaphore_mem>>
    %dma_start3A_345 = arith.constant 0 : i32
    %dma_start3A_346 = tpu.memref_slice %arg4[%multiple_of3A_336, %dma_start3A_345] : memref<320000x128xf32, #tpu.memory_space<hbm>> -> memref<40x128xf32, #tpu.memory_space<hbm>>
    %dma_start3A_347 = arith.constant 280 : i32
    %dma_start3A_348 = arith.constant 0 : i32
    %dma_start3A_349 = tpu.memref_slice %arg8[%dma_start3A_347, %dma_start3A_348] : memref<400x128xf32, #tpu.memory_space<vmem>> -> memref<40x128xf32, #tpu.memory_space<vmem>>
    tpu.enqueue_dma source(%dma_start3A_349 : memref<40x128xf32, #tpu.memory_space<vmem>>) target(%dma_start3A_346 : memref<40x128xf32, #tpu.memory_space<hbm>>) target_semaphore(%dma_start3A_344 : memref<!tpu.dma_semaphore, #tpu.memory_space<semaphore_mem>>)
    %multiple_of3A_350 = arith.constant 320 : i32
    %multiple_of3A_351 = tpu.assume_multiple %multiple_of3A_350, 8 : i32
    %dma_wait3A_352 = arith.constant 8 : i32
    %dma_wait3A_353 = arith.constant 320 : i32
    %dma_wait3A_354 = arith.constant 0 : i32
    %dma_wait3A_355 = tpu.memref_slice %arg8[%dma_wait3A_353, %dma_wait3A_354] : memref<400x128xf32, #tpu.memory_space<vmem>> -> memref<40x128xf32, #tpu.memory_space<vmem>>
    %dma_wait3A_356 = tpu.memref_slice %arg7[%multiple_of3A_351] : memref<10000xi32, #tpu.memory_space<vmem>> -> memref<40xi32, #tpu.memory_space<vmem>>
    %dma_wait3A_357 = arith.constant 0 : i32
    %dma_wait3A_358 = arith.constant 0 : i32
    %dma_wait3A_359 = tpu.memref_slice %arg6[%dma_wait3A_357, %dma_wait3A_358] : memref<8x128xf32, #tpu.memory_space<vmem_shared>> -> memref<8x128xf32, #tpu.memory_space<vmem_shared>>
    %dma_wait3A_360 = tpu.memref_slice %arg10[%dma_wait3A_352] : memref<10x!tpu.dma_semaphore, #tpu.memory_space<semaphore_mem>> -> memref<1x!tpu.dma_semaphore, #tpu.memory_space<semaphore_mem>>
    %dma_wait3A_361 = tpu.memref_squeeze %dma_wait3A_360 : memref<1x!tpu.dma_semaphore, #tpu.memory_space<semaphore_mem>> -> memref<!tpu.dma_semaphore, #tpu.memory_space<semaphore_mem>>
    tpu.wait_indirect_dma semaphore(%dma_wait3A_361 : memref<!tpu.dma_semaphore, #tpu.memory_space<semaphore_mem>>) src(%dma_wait3A_359 : memref<8x128xf32, #tpu.memory_space<vmem_shared>>) dst(%dma_wait3A_355 : memref<40x128xf32, #tpu.memory_space<vmem>>)
    %add3A_362 = arith.constant 320 : i32
    %add3A_363 = arith.addi %mul3A_2, %add3A_362 : i32
    %multiple_of3A_364 = tpu.assume_multiple %add3A_363, 8 : i32
    %dma_start3A_365 = arith.constant 8 : i32
    %dma_start3A_366 = arith.constant 320 : i32
    %dma_start3A_367 = arith.constant 0 : i32
    %dma_start3A_368 = tpu.memref_slice %arg8[%dma_start3A_366, %dma_start3A_367] : memref<400x128xf32, #tpu.memory_space<vmem>> -> memref<40x128xf32, #tpu.memory_space<vmem>>
    %dma_start3A_369 = arith.constant 0 : i32
    %dma_start3A_370 = tpu.memref_slice %arg4[%multiple_of3A_364, %dma_start3A_369] : memref<320000x128xf32, #tpu.memory_space<hbm>> -> memref<40x128xf32, #tpu.memory_space<hbm>>
    %dma_start3A_371 = tpu.memref_slice %arg11[%dma_start3A_365] : memref<10x!tpu.dma_semaphore, #tpu.memory_space<semaphore_mem>> -> memref<1x!tpu.dma_semaphore, #tpu.memory_space<semaphore_mem>>
    %dma_start3A_372 = tpu.memref_squeeze %dma_start3A_371 : memref<1x!tpu.dma_semaphore, #tpu.memory_space<semaphore_mem>> -> memref<!tpu.dma_semaphore, #tpu.memory_space<semaphore_mem>>
    %dma_start3A_373 = arith.constant 0 : i32
    %dma_start3A_374 = tpu.memref_slice %arg4[%multiple_of3A_364, %dma_start3A_373] : memref<320000x128xf32, #tpu.memory_space<hbm>> -> memref<40x128xf32, #tpu.memory_space<hbm>>
    %dma_start3A_375 = arith.constant 320 : i32
    %dma_start3A_376 = arith.constant 0 : i32
    %dma_start3A_377 = tpu.memref_slice %arg8[%dma_start3A_375, %dma_start3A_376] : memref<400x128xf32, #tpu.memory_space<vmem>> -> memref<40x128xf32, #tpu.memory_space<vmem>>
    tpu.enqueue_dma source(%dma_start3A_377 : memref<40x128xf32, #tpu.memory_space<vmem>>) target(%dma_start3A_374 : memref<40x128xf32, #tpu.memory_space<hbm>>) target_semaphore(%dma_start3A_372 : memref<!tpu.dma_semaphore, #tpu.memory_space<semaphore_mem>>)
    %multiple_of3A_378 = arith.constant 360 : i32
    %multiple_of3A_379 = tpu.assume_multiple %multiple_of3A_378, 8 : i32
    %dma_wait3A_380 = arith.constant 9 : i32
    %dma_wait3A_381 = arith.constant 360 : i32
    %dma_wait3A_382 = arith.constant 0 : i32
    %dma_wait3A_383 = tpu.memref_slice %arg8[%dma_wait3A_381, %dma_wait3A_382] : memref<400x128xf32, #tpu.memory_space<vmem>> -> memref<40x128xf32, #tpu.memory_space<vmem>>
    %dma_wait3A_384 = tpu.memref_slice %arg7[%multiple_of3A_379] : memref<10000xi32, #tpu.memory_space<vmem>> -> memref<40xi32, #tpu.memory_space<vmem>>
    %dma_wait3A_385 = arith.constant 0 : i32
    %dma_wait3A_386 = arith.constant 0 : i32
    %dma_wait3A_387 = tpu.memref_slice %arg6[%dma_wait3A_385, %dma_wait3A_386] : memref<8x128xf32, #tpu.memory_space<vmem_shared>> -> memref<8x128xf32, #tpu.memory_space<vmem_shared>>
    %dma_wait3A_388 = tpu.memref_slice %arg10[%dma_wait3A_380] : memref<10x!tpu.dma_semaphore, #tpu.memory_space<semaphore_mem>> -> memref<1x!tpu.dma_semaphore, #tpu.memory_space<semaphore_mem>>
    %dma_wait3A_389 = tpu.memref_squeeze %dma_wait3A_388 : memref<1x!tpu.dma_semaphore, #tpu.memory_space<semaphore_mem>> -> memref<!tpu.dma_semaphore, #tpu.memory_space<semaphore_mem>>
    tpu.wait_indirect_dma semaphore(%dma_wait3A_389 : memref<!tpu.dma_semaphore, #tpu.memory_space<semaphore_mem>>) src(%dma_wait3A_387 : memref<8x128xf32, #tpu.memory_space<vmem_shared>>) dst(%dma_wait3A_383 : memref<40x128xf32, #tpu.memory_space<vmem>>)
    %add3A_390 = arith.constant 360 : i32
    %add3A_391 = arith.addi %mul3A_2, %add3A_390 : i32
    %multiple_of3A_392 = tpu.assume_multiple %add3A_391, 8 : i32
    %dma_start3A_393 = arith.constant 9 : i32
    %dma_start3A_394 = arith.constant 360 : i32
    %dma_start3A_395 = arith.constant 0 : i32
    %dma_start3A_396 = tpu.memref_slice %arg8[%dma_start3A_394, %dma_start3A_395] : memref<400x128xf32, #tpu.memory_space<vmem>> -> memref<40x128xf32, #tpu.memory_space<vmem>>
    %dma_start3A_397 = arith.constant 0 : i32
    %dma_start3A_398 = tpu.memref_slice %arg4[%multiple_of3A_392, %dma_start3A_397] : memref<320000x128xf32, #tpu.memory_space<hbm>> -> memref<40x128xf32, #tpu.memory_space<hbm>>
    %dma_start3A_399 = tpu.memref_slice %arg11[%dma_start3A_393] : memref<10x!tpu.dma_semaphore, #tpu.memory_space<semaphore_mem>> -> memref<1x!tpu.dma_semaphore, #tpu.memory_space<semaphore_mem>>
    %dma_start3A_400 = tpu.memref_squeeze %dma_start3A_399 : memref<1x!tpu.dma_semaphore, #tpu.memory_space<semaphore_mem>> -> memref<!tpu.dma_semaphore, #tpu.memory_space<semaphore_mem>>
    %dma_start3A_401 = arith.constant 0 : i32
    %dma_start3A_402 = tpu.memref_slice %arg4[%multiple_of3A_392, %dma_start3A_401] : memref<320000x128xf32, #tpu.memory_space<hbm>> -> memref<40x128xf32, #tpu.memory_space<hbm>>
    %dma_start3A_403 = arith.constant 360 : i32
    %dma_start3A_404 = arith.constant 0 : i32
    %dma_start3A_405 = tpu.memref_slice %arg8[%dma_start3A_403, %dma_start3A_404] : memref<400x128xf32, #tpu.memory_space<vmem>> -> memref<40x128xf32, #tpu.memory_space<vmem>>
    tpu.enqueue_dma source(%dma_start3A_405 : memref<40x128xf32, #tpu.memory_space<vmem>>) target(%dma_start3A_402 : memref<40x128xf32, #tpu.memory_space<hbm>>) target_semaphore(%dma_start3A_400 : memref<!tpu.dma_semaphore, #tpu.memory_space<semaphore_mem>>)
    %scan3A = arith.constant 0 : i32
    %scan3A_406 = arith.constant 1 : i32
    %scan3A_407 = arith.constant 24 : i32
    %scan3A_408 = arith.addi %scan3A_406, %scan3A_407 : i32
    %scan3A_409 = arith.constant 1 : i32
    scf.for %scan3A_571 = %scan3A_406 to %scan3A_408 step %scan3A_409  : i32 {
      %mul3A_572 = arith.constant 10 : i32
      %mul3A_573 = arith.muli %scan3A_571, %mul3A_572 : i32
      %sub3A = arith.constant 10 : i32
      %sub3A_574 = arith.subi %mul3A_573, %sub3A : i32
      %add3A_575 = arith.constant 0 : i32
      %add3A_576 = arith.addi %sub3A_574, %add3A_575 : i32
      %mul3A_577 = arith.constant 40 : i32
      %mul3A_578 = arith.muli %add3A_576, %mul3A_577 : i32
      %add3A_579 = arith.addi %mul3A_2, %mul3A_578 : i32
      %multiple_of3A_580 = tpu.assume_multiple %add3A_579, 8 : i32
      %dma_wait3A_581 = arith.constant 0 : i32
      %dma_wait3A_582 = arith.constant 0 : i32
      %dma_wait3A_583 = arith.constant 0 : i32
      %dma_wait3A_584 = tpu.memref_slice %arg8[%dma_wait3A_582, %dma_wait3A_583] : memref<400x128xf32, #tpu.memory_space<vmem>> -> memref<40x128xf32, #tpu.memory_space<vmem>>
      %dma_wait3A_585 = arith.constant 0 : i32
      %dma_wait3A_586 = tpu.memref_slice %arg4[%multiple_of3A_580, %dma_wait3A_585] : memref<320000x128xf32, #tpu.memory_space<hbm>> -> memref<40x128xf32, #tpu.memory_space<hbm>>
      %dma_wait3A_587 = tpu.memref_slice %arg11[%dma_wait3A_581] : memref<10x!tpu.dma_semaphore, #tpu.memory_space<semaphore_mem>> -> memref<1x!tpu.dma_semaphore, #tpu.memory_space<semaphore_mem>>
      %dma_wait3A_588 = tpu.memref_squeeze %dma_wait3A_587 : memref<1x!tpu.dma_semaphore, #tpu.memory_space<semaphore_mem>> -> memref<!tpu.dma_semaphore, #tpu.memory_space<semaphore_mem>>
      %dma_wait3A_589 = arith.constant 0 : i32
      %dma_wait3A_590 = tpu.memref_slice %arg4[%multiple_of3A_580, %dma_wait3A_589] : memref<320000x128xf32, #tpu.memory_space<hbm>> -> memref<40x128xf32, #tpu.memory_space<hbm>>
      %dma_wait3A_591 = arith.constant 0 : i32
      %dma_wait3A_592 = arith.constant 0 : i32
      %dma_wait3A_593 = tpu.memref_slice %arg8[%dma_wait3A_591, %dma_wait3A_592] : memref<400x128xf32, #tpu.memory_space<vmem>> -> memref<40x128xf32, #tpu.memory_space<vmem>>
      tpu.wait_dma2 semaphore(%dma_wait3A_588 : memref<!tpu.dma_semaphore, #tpu.memory_space<semaphore_mem>>) src(%dma_wait3A_593 : memref<40x128xf32, #tpu.memory_space<vmem>>) dst(%dma_wait3A_590 : memref<40x128xf32, #tpu.memory_space<hbm>>)
      %add3A_594 = arith.constant 0 : i32
      %add3A_595 = arith.addi %mul3A_573, %add3A_594 : i32
      %mul3A_596 = arith.constant 40 : i32
      %mul3A_597 = arith.muli %add3A_595, %mul3A_596 : i32
      %multiple_of3A_598 = tpu.assume_multiple %mul3A_597, 8 : i32
      %dma_start3A_599 = arith.constant 0 : i32
      %dma_start3A_600 = arith.constant 0 : i32
      %dma_start3A_601 = arith.constant 0 : i32
      %dma_start3A_602 = tpu.memref_slice %arg8[%dma_start3A_600, %dma_start3A_601] : memref<400x128xf32, #tpu.memory_space<vmem>> -> memref<40x128xf32, #tpu.memory_space<vmem>>
      %dma_start3A_603 = tpu.memref_slice %arg7[%multiple_of3A_598] : memref<10000xi32, #tpu.memory_space<vmem>> -> memref<40xi32, #tpu.memory_space<vmem>>
      %dma_start3A_604 = arith.constant 0 : i32
      %dma_start3A_605 = arith.constant 0 : i32
      %dma_start3A_606 = tpu.memref_slice %arg6[%dma_start3A_604, %dma_start3A_605] : memref<8x128xf32, #tpu.memory_space<vmem_shared>> -> memref<8x128xf32, #tpu.memory_space<vmem_shared>>
      %dma_start3A_607 = tpu.memref_slice %arg10[%dma_start3A_599] : memref<10x!tpu.dma_semaphore, #tpu.memory_space<semaphore_mem>> -> memref<1x!tpu.dma_semaphore, #tpu.memory_space<semaphore_mem>>
      %dma_start3A_608 = tpu.memref_squeeze %dma_start3A_607 : memref<1x!tpu.dma_semaphore, #tpu.memory_space<semaphore_mem>> -> memref<!tpu.dma_semaphore, #tpu.memory_space<semaphore_mem>>
      tpu.enqueue_indirect_dma source(%dma_start3A_606 : memref<8x128xf32, #tpu.memory_space<vmem_shared>>) target(%dma_start3A_602 : memref<40x128xf32, #tpu.memory_space<vmem>>) offsets(%dma_start3A_603 : memref<40xi32, #tpu.memory_space<vmem>>) semaphore(%dma_start3A_608 : memref<!tpu.dma_semaphore, #tpu.memory_space<semaphore_mem>>)
      %sub3A_609 = arith.constant 10 : i32
      %sub3A_610 = arith.subi %mul3A_573, %sub3A_609 : i32
      %add3A_611 = arith.constant 1 : i32
      %add3A_612 = arith.addi %sub3A_610, %add3A_611 : i32
      %mul3A_613 = arith.constant 40 : i32
      %mul3A_614 = arith.muli %add3A_612, %mul3A_613 : i32
      %add3A_615 = arith.addi %mul3A_2, %mul3A_614 : i32
      %multiple_of3A_616 = tpu.assume_multiple %add3A_615, 8 : i32
      %dma_wait3A_617 = arith.constant 1 : i32
      %dma_wait3A_618 = arith.constant 40 : i32
      %dma_wait3A_619 = arith.constant 0 : i32
      %dma_wait3A_620 = tpu.memref_slice %arg8[%dma_wait3A_618, %dma_wait3A_619] : memref<400x128xf32, #tpu.memory_space<vmem>> -> memref<40x128xf32, #tpu.memory_space<vmem>>
      %dma_wait3A_621 = arith.constant 0 : i32
      %dma_wait3A_622 = tpu.memref_slice %arg4[%multiple_of3A_616, %dma_wait3A_621] : memref<320000x128xf32, #tpu.memory_space<hbm>> -> memref<40x128xf32, #tpu.memory_space<hbm>>
      %dma_wait3A_623 = tpu.memref_slice %arg11[%dma_wait3A_617] : memref<10x!tpu.dma_semaphore, #tpu.memory_space<semaphore_mem>> -> memref<1x!tpu.dma_semaphore, #tpu.memory_space<semaphore_mem>>
      %dma_wait3A_624 = tpu.memref_squeeze %dma_wait3A_623 : memref<1x!tpu.dma_semaphore, #tpu.memory_space<semaphore_mem>> -> memref<!tpu.dma_semaphore, #tpu.memory_space<semaphore_mem>>
      %dma_wait3A_625 = arith.constant 0 : i32
      %dma_wait3A_626 = tpu.memref_slice %arg4[%multiple_of3A_616, %dma_wait3A_625] : memref<320000x128xf32, #tpu.memory_space<hbm>> -> memref<40x128xf32, #tpu.memory_space<hbm>>
      %dma_wait3A_627 = arith.constant 40 : i32
      %dma_wait3A_628 = arith.constant 0 : i32
      %dma_wait3A_629 = tpu.memref_slice %arg8[%dma_wait3A_627, %dma_wait3A_628] : memref<400x128xf32, #tpu.memory_space<vmem>> -> memref<40x128xf32, #tpu.memory_space<vmem>>
      tpu.wait_dma2 semaphore(%dma_wait3A_624 : memref<!tpu.dma_semaphore, #tpu.memory_space<semaphore_mem>>) src(%dma_wait3A_629 : memref<40x128xf32, #tpu.memory_space<vmem>>) dst(%dma_wait3A_626 : memref<40x128xf32, #tpu.memory_space<hbm>>)
      %add3A_630 = arith.constant 1 : i32
      %add3A_631 = arith.addi %mul3A_573, %add3A_630 : i32
      %mul3A_632 = arith.constant 40 : i32
      %mul3A_633 = arith.muli %add3A_631, %mul3A_632 : i32
      %multiple_of3A_634 = tpu.assume_multiple %mul3A_633, 8 : i32
      %dma_start3A_635 = arith.constant 1 : i32
      %dma_start3A_636 = arith.constant 40 : i32
      %dma_start3A_637 = arith.constant 0 : i32
      %dma_start3A_638 = tpu.memref_slice %arg8[%dma_start3A_636, %dma_start3A_637] : memref<400x128xf32, #tpu.memory_space<vmem>> -> memref<40x128xf32, #tpu.memory_space<vmem>>
      %dma_start3A_639 = tpu.memref_slice %arg7[%multiple_of3A_634] : memref<10000xi32, #tpu.memory_space<vmem>> -> memref<40xi32, #tpu.memory_space<vmem>>
      %dma_start3A_640 = arith.constant 0 : i32
      %dma_start3A_641 = arith.constant 0 : i32
      %dma_start3A_642 = tpu.memref_slice %arg6[%dma_start3A_640, %dma_start3A_641] : memref<8x128xf32, #tpu.memory_space<vmem_shared>> -> memref<8x128xf32, #tpu.memory_space<vmem_shared>>
      %dma_start3A_643 = tpu.memref_slice %arg10[%dma_start3A_635] : memref<10x!tpu.dma_semaphore, #tpu.memory_space<semaphore_mem>> -> memref<1x!tpu.dma_semaphore, #tpu.memory_space<semaphore_mem>>
      %dma_start3A_644 = tpu.memref_squeeze %dma_start3A_643 : memref<1x!tpu.dma_semaphore, #tpu.memory_space<semaphore_mem>> -> memref<!tpu.dma_semaphore, #tpu.memory_space<semaphore_mem>>
      tpu.enqueue_indirect_dma source(%dma_start3A_642 : memref<8x128xf32, #tpu.memory_space<vmem_shared>>) target(%dma_start3A_638 : memref<40x128xf32, #tpu.memory_space<vmem>>) offsets(%dma_start3A_639 : memref<40xi32, #tpu.memory_space<vmem>>) semaphore(%dma_start3A_644 : memref<!tpu.dma_semaphore, #tpu.memory_space<semaphore_mem>>)
      %sub3A_645 = arith.constant 10 : i32
      %sub3A_646 = arith.subi %mul3A_573, %sub3A_645 : i32
      %add3A_647 = arith.constant 2 : i32
      %add3A_648 = arith.addi %sub3A_646, %add3A_647 : i32
      %mul3A_649 = arith.constant 40 : i32
      %mul3A_650 = arith.muli %add3A_648, %mul3A_649 : i32
      %add3A_651 = arith.addi %mul3A_2, %mul3A_650 : i32
      %multiple_of3A_652 = tpu.assume_multiple %add3A_651, 8 : i32
      %dma_wait3A_653 = arith.constant 2 : i32
      %dma_wait3A_654 = arith.constant 80 : i32
      %dma_wait3A_655 = arith.constant 0 : i32
      %dma_wait3A_656 = tpu.memref_slice %arg8[%dma_wait3A_654, %dma_wait3A_655] : memref<400x128xf32, #tpu.memory_space<vmem>> -> memref<40x128xf32, #tpu.memory_space<vmem>>
      %dma_wait3A_657 = arith.constant 0 : i32
      %dma_wait3A_658 = tpu.memref_slice %arg4[%multiple_of3A_652, %dma_wait3A_657] : memref<320000x128xf32, #tpu.memory_space<hbm>> -> memref<40x128xf32, #tpu.memory_space<hbm>>
      %dma_wait3A_659 = tpu.memref_slice %arg11[%dma_wait3A_653] : memref<10x!tpu.dma_semaphore, #tpu.memory_space<semaphore_mem>> -> memref<1x!tpu.dma_semaphore, #tpu.memory_space<semaphore_mem>>
      %dma_wait3A_660 = tpu.memref_squeeze %dma_wait3A_659 : memref<1x!tpu.dma_semaphore, #tpu.memory_space<semaphore_mem>> -> memref<!tpu.dma_semaphore, #tpu.memory_space<semaphore_mem>>
      %dma_wait3A_661 = arith.constant 0 : i32
      %dma_wait3A_662 = tpu.memref_slice %arg4[%multiple_of3A_652, %dma_wait3A_661] : memref<320000x128xf32, #tpu.memory_space<hbm>> -> memref<40x128xf32, #tpu.memory_space<hbm>>
      %dma_wait3A_663 = arith.constant 80 : i32
      %dma_wait3A_664 = arith.constant 0 : i32
      %dma_wait3A_665 = tpu.memref_slice %arg8[%dma_wait3A_663, %dma_wait3A_664] : memref<400x128xf32, #tpu.memory_space<vmem>> -> memref<40x128xf32, #tpu.memory_space<vmem>>
      tpu.wait_dma2 semaphore(%dma_wait3A_660 : memref<!tpu.dma_semaphore, #tpu.memory_space<semaphore_mem>>) src(%dma_wait3A_665 : memref<40x128xf32, #tpu.memory_space<vmem>>) dst(%dma_wait3A_662 : memref<40x128xf32, #tpu.memory_space<hbm>>)
      %add3A_666 = arith.constant 2 : i32
      %add3A_667 = arith.addi %mul3A_573, %add3A_666 : i32
      %mul3A_668 = arith.constant 40 : i32
      %mul3A_669 = arith.muli %add3A_667, %mul3A_668 : i32
      %multiple_of3A_670 = tpu.assume_multiple %mul3A_669, 8 : i32
      %dma_start3A_671 = arith.constant 2 : i32
      %dma_start3A_672 = arith.constant 80 : i32
      %dma_start3A_673 = arith.constant 0 : i32
      %dma_start3A_674 = tpu.memref_slice %arg8[%dma_start3A_672, %dma_start3A_673] : memref<400x128xf32, #tpu.memory_space<vmem>> -> memref<40x128xf32, #tpu.memory_space<vmem>>
      %dma_start3A_675 = tpu.memref_slice %arg7[%multiple_of3A_670] : memref<10000xi32, #tpu.memory_space<vmem>> -> memref<40xi32, #tpu.memory_space<vmem>>
      %dma_start3A_676 = arith.constant 0 : i32
      %dma_start3A_677 = arith.constant 0 : i32
      %dma_start3A_678 = tpu.memref_slice %arg6[%dma_start3A_676, %dma_start3A_677] : memref<8x128xf32, #tpu.memory_space<vmem_shared>> -> memref<8x128xf32, #tpu.memory_space<vmem_shared>>
      %dma_start3A_679 = tpu.memref_slice %arg10[%dma_start3A_671] : memref<10x!tpu.dma_semaphore, #tpu.memory_space<semaphore_mem>> -> memref<1x!tpu.dma_semaphore, #tpu.memory_space<semaphore_mem>>
      %dma_start3A_680 = tpu.memref_squeeze %dma_start3A_679 : memref<1x!tpu.dma_semaphore, #tpu.memory_space<semaphore_mem>> -> memref<!tpu.dma_semaphore, #tpu.memory_space<semaphore_mem>>
      tpu.enqueue_indirect_dma source(%dma_start3A_678 : memref<8x128xf32, #tpu.memory_space<vmem_shared>>) target(%dma_start3A_674 : memref<40x128xf32, #tpu.memory_space<vmem>>) offsets(%dma_start3A_675 : memref<40xi32, #tpu.memory_space<vmem>>) semaphore(%dma_start3A_680 : memref<!tpu.dma_semaphore, #tpu.memory_space<semaphore_mem>>)
      %sub3A_681 = arith.constant 10 : i32
      %sub3A_682 = arith.subi %mul3A_573, %sub3A_681 : i32
      %add3A_683 = arith.constant 3 : i32
      %add3A_684 = arith.addi %sub3A_682, %add3A_683 : i32
      %mul3A_685 = arith.constant 40 : i32
      %mul3A_686 = arith.muli %add3A_684, %mul3A_685 : i32
      %add3A_687 = arith.addi %mul3A_2, %mul3A_686 : i32
      %multiple_of3A_688 = tpu.assume_multiple %add3A_687, 8 : i32
      %dma_wait3A_689 = arith.constant 3 : i32
      %dma_wait3A_690 = arith.constant 120 : i32
      %dma_wait3A_691 = arith.constant 0 : i32
      %dma_wait3A_692 = tpu.memref_slice %arg8[%dma_wait3A_690, %dma_wait3A_691] : memref<400x128xf32, #tpu.memory_space<vmem>> -> memref<40x128xf32, #tpu.memory_space<vmem>>
      %dma_wait3A_693 = arith.constant 0 : i32
      %dma_wait3A_694 = tpu.memref_slice %arg4[%multiple_of3A_688, %dma_wait3A_693] : memref<320000x128xf32, #tpu.memory_space<hbm>> -> memref<40x128xf32, #tpu.memory_space<hbm>>
      %dma_wait3A_695 = tpu.memref_slice %arg11[%dma_wait3A_689] : memref<10x!tpu.dma_semaphore, #tpu.memory_space<semaphore_mem>> -> memref<1x!tpu.dma_semaphore, #tpu.memory_space<semaphore_mem>>
      %dma_wait3A_696 = tpu.memref_squeeze %dma_wait3A_695 : memref<1x!tpu.dma_semaphore, #tpu.memory_space<semaphore_mem>> -> memref<!tpu.dma_semaphore, #tpu.memory_space<semaphore_mem>>
      %dma_wait3A_697 = arith.constant 0 : i32
      %dma_wait3A_698 = tpu.memref_slice %arg4[%multiple_of3A_688, %dma_wait3A_697] : memref<320000x128xf32, #tpu.memory_space<hbm>> -> memref<40x128xf32, #tpu.memory_space<hbm>>
      %dma_wait3A_699 = arith.constant 120 : i32
      %dma_wait3A_700 = arith.constant 0 : i32
      %dma_wait3A_701 = tpu.memref_slice %arg8[%dma_wait3A_699, %dma_wait3A_700] : memref<400x128xf32, #tpu.memory_space<vmem>> -> memref<40x128xf32, #tpu.memory_space<vmem>>
      tpu.wait_dma2 semaphore(%dma_wait3A_696 : memref<!tpu.dma_semaphore, #tpu.memory_space<semaphore_mem>>) src(%dma_wait3A_701 : memref<40x128xf32, #tpu.memory_space<vmem>>) dst(%dma_wait3A_698 : memref<40x128xf32, #tpu.memory_space<hbm>>)
      %add3A_702 = arith.constant 3 : i32
      %add3A_703 = arith.addi %mul3A_573, %add3A_702 : i32
      %mul3A_704 = arith.constant 40 : i32
      %mul3A_705 = arith.muli %add3A_703, %mul3A_704 : i32
      %multiple_of3A_706 = tpu.assume_multiple %mul3A_705, 8 : i32
      %dma_start3A_707 = arith.constant 3 : i32
      %dma_start3A_708 = arith.constant 120 : i32
      %dma_start3A_709 = arith.constant 0 : i32
      %dma_start3A_710 = tpu.memref_slice %arg8[%dma_start3A_708, %dma_start3A_709] : memref<400x128xf32, #tpu.memory_space<vmem>> -> memref<40x128xf32, #tpu.memory_space<vmem>>
      %dma_start3A_711 = tpu.memref_slice %arg7[%multiple_of3A_706] : memref<10000xi32, #tpu.memory_space<vmem>> -> memref<40xi32, #tpu.memory_space<vmem>>
      %dma_start3A_712 = arith.constant 0 : i32
      %dma_start3A_713 = arith.constant 0 : i32
      %dma_start3A_714 = tpu.memref_slice %arg6[%dma_start3A_712, %dma_start3A_713] : memref<8x128xf32, #tpu.memory_space<vmem_shared>> -> memref<8x128xf32, #tpu.memory_space<vmem_shared>>
      %dma_start3A_715 = tpu.memref_slice %arg10[%dma_start3A_707] : memref<10x!tpu.dma_semaphore, #tpu.memory_space<semaphore_mem>> -> memref<1x!tpu.dma_semaphore, #tpu.memory_space<semaphore_mem>>
      %dma_start3A_716 = tpu.memref_squeeze %dma_start3A_715 : memref<1x!tpu.dma_semaphore, #tpu.memory_space<semaphore_mem>> -> memref<!tpu.dma_semaphore, #tpu.memory_space<semaphore_mem>>
      tpu.enqueue_indirect_dma source(%dma_start3A_714 : memref<8x128xf32, #tpu.memory_space<vmem_shared>>) target(%dma_start3A_710 : memref<40x128xf32, #tpu.memory_space<vmem>>) offsets(%dma_start3A_711 : memref<40xi32, #tpu.memory_space<vmem>>) semaphore(%dma_start3A_716 : memref<!tpu.dma_semaphore, #tpu.memory_space<semaphore_mem>>)
      %sub3A_717 = arith.constant 10 : i32
      %sub3A_718 = arith.subi %mul3A_573, %sub3A_717 : i32
      %add3A_719 = arith.constant 4 : i32
      %add3A_720 = arith.addi %sub3A_718, %add3A_719 : i32
      %mul3A_721 = arith.constant 40 : i32
      %mul3A_722 = arith.muli %add3A_720, %mul3A_721 : i32
      %add3A_723 = arith.addi %mul3A_2, %mul3A_722 : i32
      %multiple_of3A_724 = tpu.assume_multiple %add3A_723, 8 : i32
      %dma_wait3A_725 = arith.constant 4 : i32
      %dma_wait3A_726 = arith.constant 160 : i32
      %dma_wait3A_727 = arith.constant 0 : i32
      %dma_wait3A_728 = tpu.memref_slice %arg8[%dma_wait3A_726, %dma_wait3A_727] : memref<400x128xf32, #tpu.memory_space<vmem>> -> memref<40x128xf32, #tpu.memory_space<vmem>>
      %dma_wait3A_729 = arith.constant 0 : i32
      %dma_wait3A_730 = tpu.memref_slice %arg4[%multiple_of3A_724, %dma_wait3A_729] : memref<320000x128xf32, #tpu.memory_space<hbm>> -> memref<40x128xf32, #tpu.memory_space<hbm>>
      %dma_wait3A_731 = tpu.memref_slice %arg11[%dma_wait3A_725] : memref<10x!tpu.dma_semaphore, #tpu.memory_space<semaphore_mem>> -> memref<1x!tpu.dma_semaphore, #tpu.memory_space<semaphore_mem>>
      %dma_wait3A_732 = tpu.memref_squeeze %dma_wait3A_731 : memref<1x!tpu.dma_semaphore, #tpu.memory_space<semaphore_mem>> -> memref<!tpu.dma_semaphore, #tpu.memory_space<semaphore_mem>>
      %dma_wait3A_733 = arith.constant 0 : i32
      %dma_wait3A_734 = tpu.memref_slice %arg4[%multiple_of3A_724, %dma_wait3A_733] : memref<320000x128xf32, #tpu.memory_space<hbm>> -> memref<40x128xf32, #tpu.memory_space<hbm>>
      %dma_wait3A_735 = arith.constant 160 : i32
      %dma_wait3A_736 = arith.constant 0 : i32
      %dma_wait3A_737 = tpu.memref_slice %arg8[%dma_wait3A_735, %dma_wait3A_736] : memref<400x128xf32, #tpu.memory_space<vmem>> -> memref<40x128xf32, #tpu.memory_space<vmem>>
      tpu.wait_dma2 semaphore(%dma_wait3A_732 : memref<!tpu.dma_semaphore, #tpu.memory_space<semaphore_mem>>) src(%dma_wait3A_737 : memref<40x128xf32, #tpu.memory_space<vmem>>) dst(%dma_wait3A_734 : memref<40x128xf32, #tpu.memory_space<hbm>>)
      %add3A_738 = arith.constant 4 : i32
      %add3A_739 = arith.addi %mul3A_573, %add3A_738 : i32
      %mul3A_740 = arith.constant 40 : i32
      %mul3A_741 = arith.muli %add3A_739, %mul3A_740 : i32
      %multiple_of3A_742 = tpu.assume_multiple %mul3A_741, 8 : i32
      %dma_start3A_743 = arith.constant 4 : i32
      %dma_start3A_744 = arith.constant 160 : i32
      %dma_start3A_745 = arith.constant 0 : i32
      %dma_start3A_746 = tpu.memref_slice %arg8[%dma_start3A_744, %dma_start3A_745] : memref<400x128xf32, #tpu.memory_space<vmem>> -> memref<40x128xf32, #tpu.memory_space<vmem>>
      %dma_start3A_747 = tpu.memref_slice %arg7[%multiple_of3A_742] : memref<10000xi32, #tpu.memory_space<vmem>> -> memref<40xi32, #tpu.memory_space<vmem>>
      %dma_start3A_748 = arith.constant 0 : i32
      %dma_start3A_749 = arith.constant 0 : i32
      %dma_start3A_750 = tpu.memref_slice %arg6[%dma_start3A_748, %dma_start3A_749] : memref<8x128xf32, #tpu.memory_space<vmem_shared>> -> memref<8x128xf32, #tpu.memory_space<vmem_shared>>
      %dma_start3A_751 = tpu.memref_slice %arg10[%dma_start3A_743] : memref<10x!tpu.dma_semaphore, #tpu.memory_space<semaphore_mem>> -> memref<1x!tpu.dma_semaphore, #tpu.memory_space<semaphore_mem>>
      %dma_start3A_752 = tpu.memref_squeeze %dma_start3A_751 : memref<1x!tpu.dma_semaphore, #tpu.memory_space<semaphore_mem>> -> memref<!tpu.dma_semaphore, #tpu.memory_space<semaphore_mem>>
      tpu.enqueue_indirect_dma source(%dma_start3A_750 : memref<8x128xf32, #tpu.memory_space<vmem_shared>>) target(%dma_start3A_746 : memref<40x128xf32, #tpu.memory_space<vmem>>) offsets(%dma_start3A_747 : memref<40xi32, #tpu.memory_space<vmem>>) semaphore(%dma_start3A_752 : memref<!tpu.dma_semaphore, #tpu.memory_space<semaphore_mem>>)
      %sub3A_753 = arith.constant 10 : i32
      %sub3A_754 = arith.subi %mul3A_573, %sub3A_753 : i32
      %add3A_755 = arith.constant 5 : i32
      %add3A_756 = arith.addi %sub3A_754, %add3A_755 : i32
      %mul3A_757 = arith.constant 40 : i32
      %mul3A_758 = arith.muli %add3A_756, %mul3A_757 : i32
      %add3A_759 = arith.addi %mul3A_2, %mul3A_758 : i32
      %multiple_of3A_760 = tpu.assume_multiple %add3A_759, 8 : i32
      %dma_wait3A_761 = arith.constant 5 : i32
      %dma_wait3A_762 = arith.constant 200 : i32
      %dma_wait3A_763 = arith.constant 0 : i32
      %dma_wait3A_764 = tpu.memref_slice %arg8[%dma_wait3A_762, %dma_wait3A_763] : memref<400x128xf32, #tpu.memory_space<vmem>> -> memref<40x128xf32, #tpu.memory_space<vmem>>
      %dma_wait3A_765 = arith.constant 0 : i32
      %dma_wait3A_766 = tpu.memref_slice %arg4[%multiple_of3A_760, %dma_wait3A_765] : memref<320000x128xf32, #tpu.memory_space<hbm>> -> memref<40x128xf32, #tpu.memory_space<hbm>>
      %dma_wait3A_767 = tpu.memref_slice %arg11[%dma_wait3A_761] : memref<10x!tpu.dma_semaphore, #tpu.memory_space<semaphore_mem>> -> memref<1x!tpu.dma_semaphore, #tpu.memory_space<semaphore_mem>>
      %dma_wait3A_768 = tpu.memref_squeeze %dma_wait3A_767 : memref<1x!tpu.dma_semaphore, #tpu.memory_space<semaphore_mem>> -> memref<!tpu.dma_semaphore, #tpu.memory_space<semaphore_mem>>
      %dma_wait3A_769 = arith.constant 0 : i32
      %dma_wait3A_770 = tpu.memref_slice %arg4[%multiple_of3A_760, %dma_wait3A_769] : memref<320000x128xf32, #tpu.memory_space<hbm>> -> memref<40x128xf32, #tpu.memory_space<hbm>>
      %dma_wait3A_771 = arith.constant 200 : i32
      %dma_wait3A_772 = arith.constant 0 : i32
      %dma_wait3A_773 = tpu.memref_slice %arg8[%dma_wait3A_771, %dma_wait3A_772] : memref<400x128xf32, #tpu.memory_space<vmem>> -> memref<40x128xf32, #tpu.memory_space<vmem>>
      tpu.wait_dma2 semaphore(%dma_wait3A_768 : memref<!tpu.dma_semaphore, #tpu.memory_space<semaphore_mem>>) src(%dma_wait3A_773 : memref<40x128xf32, #tpu.memory_space<vmem>>) dst(%dma_wait3A_770 : memref<40x128xf32, #tpu.memory_space<hbm>>)
      %add3A_774 = arith.constant 5 : i32
      %add3A_775 = arith.addi %mul3A_573, %add3A_774 : i32
      %mul3A_776 = arith.constant 40 : i32
      %mul3A_777 = arith.muli %add3A_775, %mul3A_776 : i32
      %multiple_of3A_778 = tpu.assume_multiple %mul3A_777, 8 : i32
      %dma_start3A_779 = arith.constant 5 : i32
      %dma_start3A_780 = arith.constant 200 : i32
      %dma_start3A_781 = arith.constant 0 : i32
      %dma_start3A_782 = tpu.memref_slice %arg8[%dma_start3A_780, %dma_start3A_781] : memref<400x128xf32, #tpu.memory_space<vmem>> -> memref<40x128xf32, #tpu.memory_space<vmem>>
      %dma_start3A_783 = tpu.memref_slice %arg7[%multiple_of3A_778] : memref<10000xi32, #tpu.memory_space<vmem>> -> memref<40xi32, #tpu.memory_space<vmem>>
      %dma_start3A_784 = arith.constant 0 : i32
      %dma_start3A_785 = arith.constant 0 : i32
      %dma_start3A_786 = tpu.memref_slice %arg6[%dma_start3A_784, %dma_start3A_785] : memref<8x128xf32, #tpu.memory_space<vmem_shared>> -> memref<8x128xf32, #tpu.memory_space<vmem_shared>>
      %dma_start3A_787 = tpu.memref_slice %arg10[%dma_start3A_779] : memref<10x!tpu.dma_semaphore, #tpu.memory_space<semaphore_mem>> -> memref<1x!tpu.dma_semaphore, #tpu.memory_space<semaphore_mem>>
      %dma_start3A_788 = tpu.memref_squeeze %dma_start3A_787 : memref<1x!tpu.dma_semaphore, #tpu.memory_space<semaphore_mem>> -> memref<!tpu.dma_semaphore, #tpu.memory_space<semaphore_mem>>
      tpu.enqueue_indirect_dma source(%dma_start3A_786 : memref<8x128xf32, #tpu.memory_space<vmem_shared>>) target(%dma_start3A_782 : memref<40x128xf32, #tpu.memory_space<vmem>>) offsets(%dma_start3A_783 : memref<40xi32, #tpu.memory_space<vmem>>) semaphore(%dma_start3A_788 : memref<!tpu.dma_semaphore, #tpu.memory_space<semaphore_mem>>)
      %sub3A_789 = arith.constant 10 : i32
      %sub3A_790 = arith.subi %mul3A_573, %sub3A_789 : i32
      %add3A_791 = arith.constant 6 : i32
      %add3A_792 = arith.addi %sub3A_790, %add3A_791 : i32
      %mul3A_793 = arith.constant 40 : i32
      %mul3A_794 = arith.muli %add3A_792, %mul3A_793 : i32
      %add3A_795 = arith.addi %mul3A_2, %mul3A_794 : i32
      %multiple_of3A_796 = tpu.assume_multiple %add3A_795, 8 : i32
      %dma_wait3A_797 = arith.constant 6 : i32
      %dma_wait3A_798 = arith.constant 240 : i32
      %dma_wait3A_799 = arith.constant 0 : i32
      %dma_wait3A_800 = tpu.memref_slice %arg8[%dma_wait3A_798, %dma_wait3A_799] : memref<400x128xf32, #tpu.memory_space<vmem>> -> memref<40x128xf32, #tpu.memory_space<vmem>>
      %dma_wait3A_801 = arith.constant 0 : i32
      %dma_wait3A_802 = tpu.memref_slice %arg4[%multiple_of3A_796, %dma_wait3A_801] : memref<320000x128xf32, #tpu.memory_space<hbm>> -> memref<40x128xf32, #tpu.memory_space<hbm>>
      %dma_wait3A_803 = tpu.memref_slice %arg11[%dma_wait3A_797] : memref<10x!tpu.dma_semaphore, #tpu.memory_space<semaphore_mem>> -> memref<1x!tpu.dma_semaphore, #tpu.memory_space<semaphore_mem>>
      %dma_wait3A_804 = tpu.memref_squeeze %dma_wait3A_803 : memref<1x!tpu.dma_semaphore, #tpu.memory_space<semaphore_mem>> -> memref<!tpu.dma_semaphore, #tpu.memory_space<semaphore_mem>>
      %dma_wait3A_805 = arith.constant 0 : i32
      %dma_wait3A_806 = tpu.memref_slice %arg4[%multiple_of3A_796, %dma_wait3A_805] : memref<320000x128xf32, #tpu.memory_space<hbm>> -> memref<40x128xf32, #tpu.memory_space<hbm>>
      %dma_wait3A_807 = arith.constant 240 : i32
      %dma_wait3A_808 = arith.constant 0 : i32
      %dma_wait3A_809 = tpu.memref_slice %arg8[%dma_wait3A_807, %dma_wait3A_808] : memref<400x128xf32, #tpu.memory_space<vmem>> -> memref<40x128xf32, #tpu.memory_space<vmem>>
      tpu.wait_dma2 semaphore(%dma_wait3A_804 : memref<!tpu.dma_semaphore, #tpu.memory_space<semaphore_mem>>) src(%dma_wait3A_809 : memref<40x128xf32, #tpu.memory_space<vmem>>) dst(%dma_wait3A_806 : memref<40x128xf32, #tpu.memory_space<hbm>>)
      %add3A_810 = arith.constant 6 : i32
      %add3A_811 = arith.addi %mul3A_573, %add3A_810 : i32
      %mul3A_812 = arith.constant 40 : i32
      %mul3A_813 = arith.muli %add3A_811, %mul3A_812 : i32
      %multiple_of3A_814 = tpu.assume_multiple %mul3A_813, 8 : i32
      %dma_start3A_815 = arith.constant 6 : i32
      %dma_start3A_816 = arith.constant 240 : i32
      %dma_start3A_817 = arith.constant 0 : i32
      %dma_start3A_818 = tpu.memref_slice %arg8[%dma_start3A_816, %dma_start3A_817] : memref<400x128xf32, #tpu.memory_space<vmem>> -> memref<40x128xf32, #tpu.memory_space<vmem>>
      %dma_start3A_819 = tpu.memref_slice %arg7[%multiple_of3A_814] : memref<10000xi32, #tpu.memory_space<vmem>> -> memref<40xi32, #tpu.memory_space<vmem>>
      %dma_start3A_820 = arith.constant 0 : i32
      %dma_start3A_821 = arith.constant 0 : i32
      %dma_start3A_822 = tpu.memref_slice %arg6[%dma_start3A_820, %dma_start3A_821] : memref<8x128xf32, #tpu.memory_space<vmem_shared>> -> memref<8x128xf32, #tpu.memory_space<vmem_shared>>
      %dma_start3A_823 = tpu.memref_slice %arg10[%dma_start3A_815] : memref<10x!tpu.dma_semaphore, #tpu.memory_space<semaphore_mem>> -> memref<1x!tpu.dma_semaphore, #tpu.memory_space<semaphore_mem>>
      %dma_start3A_824 = tpu.memref_squeeze %dma_start3A_823 : memref<1x!tpu.dma_semaphore, #tpu.memory_space<semaphore_mem>> -> memref<!tpu.dma_semaphore, #tpu.memory_space<semaphore_mem>>
      tpu.enqueue_indirect_dma source(%dma_start3A_822 : memref<8x128xf32, #tpu.memory_space<vmem_shared>>) target(%dma_start3A_818 : memref<40x128xf32, #tpu.memory_space<vmem>>) offsets(%dma_start3A_819 : memref<40xi32, #tpu.memory_space<vmem>>) semaphore(%dma_start3A_824 : memref<!tpu.dma_semaphore, #tpu.memory_space<semaphore_mem>>)
      %sub3A_825 = arith.constant 10 : i32
      %sub3A_826 = arith.subi %mul3A_573, %sub3A_825 : i32
      %add3A_827 = arith.constant 7 : i32
      %add3A_828 = arith.addi %sub3A_826, %add3A_827 : i32
      %mul3A_829 = arith.constant 40 : i32
      %mul3A_830 = arith.muli %add3A_828, %mul3A_829 : i32
      %add3A_831 = arith.addi %mul3A_2, %mul3A_830 : i32
      %multiple_of3A_832 = tpu.assume_multiple %add3A_831, 8 : i32
      %dma_wait3A_833 = arith.constant 7 : i32
      %dma_wait3A_834 = arith.constant 280 : i32
      %dma_wait3A_835 = arith.constant 0 : i32
      %dma_wait3A_836 = tpu.memref_slice %arg8[%dma_wait3A_834, %dma_wait3A_835] : memref<400x128xf32, #tpu.memory_space<vmem>> -> memref<40x128xf32, #tpu.memory_space<vmem>>
      %dma_wait3A_837 = arith.constant 0 : i32
      %dma_wait3A_838 = tpu.memref_slice %arg4[%multiple_of3A_832, %dma_wait3A_837] : memref<320000x128xf32, #tpu.memory_space<hbm>> -> memref<40x128xf32, #tpu.memory_space<hbm>>
      %dma_wait3A_839 = tpu.memref_slice %arg11[%dma_wait3A_833] : memref<10x!tpu.dma_semaphore, #tpu.memory_space<semaphore_mem>> -> memref<1x!tpu.dma_semaphore, #tpu.memory_space<semaphore_mem>>
      %dma_wait3A_840 = tpu.memref_squeeze %dma_wait3A_839 : memref<1x!tpu.dma_semaphore, #tpu.memory_space<semaphore_mem>> -> memref<!tpu.dma_semaphore, #tpu.memory_space<semaphore_mem>>
      %dma_wait3A_841 = arith.constant 0 : i32
      %dma_wait3A_842 = tpu.memref_slice %arg4[%multiple_of3A_832, %dma_wait3A_841] : memref<320000x128xf32, #tpu.memory_space<hbm>> -> memref<40x128xf32, #tpu.memory_space<hbm>>
      %dma_wait3A_843 = arith.constant 280 : i32
      %dma_wait3A_844 = arith.constant 0 : i32
      %dma_wait3A_845 = tpu.memref_slice %arg8[%dma_wait3A_843, %dma_wait3A_844] : memref<400x128xf32, #tpu.memory_space<vmem>> -> memref<40x128xf32, #tpu.memory_space<vmem>>
      tpu.wait_dma2 semaphore(%dma_wait3A_840 : memref<!tpu.dma_semaphore, #tpu.memory_space<semaphore_mem>>) src(%dma_wait3A_845 : memref<40x128xf32, #tpu.memory_space<vmem>>) dst(%dma_wait3A_842 : memref<40x128xf32, #tpu.memory_space<hbm>>)
      %add3A_846 = arith.constant 7 : i32
      %add3A_847 = arith.addi %mul3A_573, %add3A_846 : i32
      %mul3A_848 = arith.constant 40 : i32
      %mul3A_849 = arith.muli %add3A_847, %mul3A_848 : i32
      %multiple_of3A_850 = tpu.assume_multiple %mul3A_849, 8 : i32
      %dma_start3A_851 = arith.constant 7 : i32
      %dma_start3A_852 = arith.constant 280 : i32
      %dma_start3A_853 = arith.constant 0 : i32
      %dma_start3A_854 = tpu.memref_slice %arg8[%dma_start3A_852, %dma_start3A_853] : memref<400x128xf32, #tpu.memory_space<vmem>> -> memref<40x128xf32, #tpu.memory_space<vmem>>
      %dma_start3A_855 = tpu.memref_slice %arg7[%multiple_of3A_850] : memref<10000xi32, #tpu.memory_space<vmem>> -> memref<40xi32, #tpu.memory_space<vmem>>
      %dma_start3A_856 = arith.constant 0 : i32
      %dma_start3A_857 = arith.constant 0 : i32
      %dma_start3A_858 = tpu.memref_slice %arg6[%dma_start3A_856, %dma_start3A_857] : memref<8x128xf32, #tpu.memory_space<vmem_shared>> -> memref<8x128xf32, #tpu.memory_space<vmem_shared>>
      %dma_start3A_859 = tpu.memref_slice %arg10[%dma_start3A_851] : memref<10x!tpu.dma_semaphore, #tpu.memory_space<semaphore_mem>> -> memref<1x!tpu.dma_semaphore, #tpu.memory_space<semaphore_mem>>
      %dma_start3A_860 = tpu.memref_squeeze %dma_start3A_859 : memref<1x!tpu.dma_semaphore, #tpu.memory_space<semaphore_mem>> -> memref<!tpu.dma_semaphore, #tpu.memory_space<semaphore_mem>>
      tpu.enqueue_indirect_dma source(%dma_start3A_858 : memref<8x128xf32, #tpu.memory_space<vmem_shared>>) target(%dma_start3A_854 : memref<40x128xf32, #tpu.memory_space<vmem>>) offsets(%dma_start3A_855 : memref<40xi32, #tpu.memory_space<vmem>>) semaphore(%dma_start3A_860 : memref<!tpu.dma_semaphore, #tpu.memory_space<semaphore_mem>>)
      %sub3A_861 = arith.constant 10 : i32
      %sub3A_862 = arith.subi %mul3A_573, %sub3A_861 : i32
      %add3A_863 = arith.constant 8 : i32
      %add3A_864 = arith.addi %sub3A_862, %add3A_863 : i32
      %mul3A_865 = arith.constant 40 : i32
      %mul3A_866 = arith.muli %add3A_864, %mul3A_865 : i32
      %add3A_867 = arith.addi %mul3A_2, %mul3A_866 : i32
      %multiple_of3A_868 = tpu.assume_multiple %add3A_867, 8 : i32
      %dma_wait3A_869 = arith.constant 8 : i32
      %dma_wait3A_870 = arith.constant 320 : i32
      %dma_wait3A_871 = arith.constant 0 : i32
      %dma_wait3A_872 = tpu.memref_slice %arg8[%dma_wait3A_870, %dma_wait3A_871] : memref<400x128xf32, #tpu.memory_space<vmem>> -> memref<40x128xf32, #tpu.memory_space<vmem>>
      %dma_wait3A_873 = arith.constant 0 : i32
      %dma_wait3A_874 = tpu.memref_slice %arg4[%multiple_of3A_868, %dma_wait3A_873] : memref<320000x128xf32, #tpu.memory_space<hbm>> -> memref<40x128xf32, #tpu.memory_space<hbm>>
      %dma_wait3A_875 = tpu.memref_slice %arg11[%dma_wait3A_869] : memref<10x!tpu.dma_semaphore, #tpu.memory_space<semaphore_mem>> -> memref<1x!tpu.dma_semaphore, #tpu.memory_space<semaphore_mem>>
      %dma_wait3A_876 = tpu.memref_squeeze %dma_wait3A_875 : memref<1x!tpu.dma_semaphore, #tpu.memory_space<semaphore_mem>> -> memref<!tpu.dma_semaphore, #tpu.memory_space<semaphore_mem>>
      %dma_wait3A_877 = arith.constant 0 : i32
      %dma_wait3A_878 = tpu.memref_slice %arg4[%multiple_of3A_868, %dma_wait3A_877] : memref<320000x128xf32, #tpu.memory_space<hbm>> -> memref<40x128xf32, #tpu.memory_space<hbm>>
      %dma_wait3A_879 = arith.constant 320 : i32
      %dma_wait3A_880 = arith.constant 0 : i32
      %dma_wait3A_881 = tpu.memref_slice %arg8[%dma_wait3A_879, %dma_wait3A_880] : memref<400x128xf32, #tpu.memory_space<vmem>> -> memref<40x128xf32, #tpu.memory_space<vmem>>
      tpu.wait_dma2 semaphore(%dma_wait3A_876 : memref<!tpu.dma_semaphore, #tpu.memory_space<semaphore_mem>>) src(%dma_wait3A_881 : memref<40x128xf32, #tpu.memory_space<vmem>>) dst(%dma_wait3A_878 : memref<40x128xf32, #tpu.memory_space<hbm>>)
      %add3A_882 = arith.constant 8 : i32
      %add3A_883 = arith.addi %mul3A_573, %add3A_882 : i32
      %mul3A_884 = arith.constant 40 : i32
      %mul3A_885 = arith.muli %add3A_883, %mul3A_884 : i32
      %multiple_of3A_886 = tpu.assume_multiple %mul3A_885, 8 : i32
      %dma_start3A_887 = arith.constant 8 : i32
      %dma_start3A_888 = arith.constant 320 : i32
      %dma_start3A_889 = arith.constant 0 : i32
      %dma_start3A_890 = tpu.memref_slice %arg8[%dma_start3A_888, %dma_start3A_889] : memref<400x128xf32, #tpu.memory_space<vmem>> -> memref<40x128xf32, #tpu.memory_space<vmem>>
      %dma_start3A_891 = tpu.memref_slice %arg7[%multiple_of3A_886] : memref<10000xi32, #tpu.memory_space<vmem>> -> memref<40xi32, #tpu.memory_space<vmem>>
      %dma_start3A_892 = arith.constant 0 : i32
      %dma_start3A_893 = arith.constant 0 : i32
      %dma_start3A_894 = tpu.memref_slice %arg6[%dma_start3A_892, %dma_start3A_893] : memref<8x128xf32, #tpu.memory_space<vmem_shared>> -> memref<8x128xf32, #tpu.memory_space<vmem_shared>>
      %dma_start3A_895 = tpu.memref_slice %arg10[%dma_start3A_887] : memref<10x!tpu.dma_semaphore, #tpu.memory_space<semaphore_mem>> -> memref<1x!tpu.dma_semaphore, #tpu.memory_space<semaphore_mem>>
      %dma_start3A_896 = tpu.memref_squeeze %dma_start3A_895 : memref<1x!tpu.dma_semaphore, #tpu.memory_space<semaphore_mem>> -> memref<!tpu.dma_semaphore, #tpu.memory_space<semaphore_mem>>
      tpu.enqueue_indirect_dma source(%dma_start3A_894 : memref<8x128xf32, #tpu.memory_space<vmem_shared>>) target(%dma_start3A_890 : memref<40x128xf32, #tpu.memory_space<vmem>>) offsets(%dma_start3A_891 : memref<40xi32, #tpu.memory_space<vmem>>) semaphore(%dma_start3A_896 : memref<!tpu.dma_semaphore, #tpu.memory_space<semaphore_mem>>)
      %sub3A_897 = arith.constant 10 : i32
      %sub3A_898 = arith.subi %mul3A_573, %sub3A_897 : i32
      %add3A_899 = arith.constant 9 : i32
      %add3A_900 = arith.addi %sub3A_898, %add3A_899 : i32
      %mul3A_901 = arith.constant 40 : i32
      %mul3A_902 = arith.muli %add3A_900, %mul3A_901 : i32
      %add3A_903 = arith.addi %mul3A_2, %mul3A_902 : i32
      %multiple_of3A_904 = tpu.assume_multiple %add3A_903, 8 : i32
      %dma_wait3A_905 = arith.constant 9 : i32
      %dma_wait3A_906 = arith.constant 360 : i32
      %dma_wait3A_907 = arith.constant 0 : i32
      %dma_wait3A_908 = tpu.memref_slice %arg8[%dma_wait3A_906, %dma_wait3A_907] : memref<400x128xf32, #tpu.memory_space<vmem>> -> memref<40x128xf32, #tpu.memory_space<vmem>>
      %dma_wait3A_909 = arith.constant 0 : i32
      %dma_wait3A_910 = tpu.memref_slice %arg4[%multiple_of3A_904, %dma_wait3A_909] : memref<320000x128xf32, #tpu.memory_space<hbm>> -> memref<40x128xf32, #tpu.memory_space<hbm>>
      %dma_wait3A_911 = tpu.memref_slice %arg11[%dma_wait3A_905] : memref<10x!tpu.dma_semaphore, #tpu.memory_space<semaphore_mem>> -> memref<1x!tpu.dma_semaphore, #tpu.memory_space<semaphore_mem>>
      %dma_wait3A_912 = tpu.memref_squeeze %dma_wait3A_911 : memref<1x!tpu.dma_semaphore, #tpu.memory_space<semaphore_mem>> -> memref<!tpu.dma_semaphore, #tpu.memory_space<semaphore_mem>>
      %dma_wait3A_913 = arith.constant 0 : i32
      %dma_wait3A_914 = tpu.memref_slice %arg4[%multiple_of3A_904, %dma_wait3A_913] : memref<320000x128xf32, #tpu.memory_space<hbm>> -> memref<40x128xf32, #tpu.memory_space<hbm>>
      %dma_wait3A_915 = arith.constant 360 : i32
      %dma_wait3A_916 = arith.constant 0 : i32
      %dma_wait3A_917 = tpu.memref_slice %arg8[%dma_wait3A_915, %dma_wait3A_916] : memref<400x128xf32, #tpu.memory_space<vmem>> -> memref<40x128xf32, #tpu.memory_space<vmem>>
      tpu.wait_dma2 semaphore(%dma_wait3A_912 : memref<!tpu.dma_semaphore, #tpu.memory_space<semaphore_mem>>) src(%dma_wait3A_917 : memref<40x128xf32, #tpu.memory_space<vmem>>) dst(%dma_wait3A_914 : memref<40x128xf32, #tpu.memory_space<hbm>>)
      %add3A_918 = arith.constant 9 : i32
      %add3A_919 = arith.addi %mul3A_573, %add3A_918 : i32
      %mul3A_920 = arith.constant 40 : i32
      %mul3A_921 = arith.muli %add3A_919, %mul3A_920 : i32
      %multiple_of3A_922 = tpu.assume_multiple %mul3A_921, 8 : i32
      %dma_start3A_923 = arith.constant 9 : i32
      %dma_start3A_924 = arith.constant 360 : i32
      %dma_start3A_925 = arith.constant 0 : i32
      %dma_start3A_926 = tpu.memref_slice %arg8[%dma_start3A_924, %dma_start3A_925] : memref<400x128xf32, #tpu.memory_space<vmem>> -> memref<40x128xf32, #tpu.memory_space<vmem>>
      %dma_start3A_927 = tpu.memref_slice %arg7[%multiple_of3A_922] : memref<10000xi32, #tpu.memory_space<vmem>> -> memref<40xi32, #tpu.memory_space<vmem>>
      %dma_start3A_928 = arith.constant 0 : i32
      %dma_start3A_929 = arith.constant 0 : i32
      %dma_start3A_930 = tpu.memref_slice %arg6[%dma_start3A_928, %dma_start3A_929] : memref<8x128xf32, #tpu.memory_space<vmem_shared>> -> memref<8x128xf32, #tpu.memory_space<vmem_shared>>
      %dma_start3A_931 = tpu.memref_slice %arg10[%dma_start3A_923] : memref<10x!tpu.dma_semaphore, #tpu.memory_space<semaphore_mem>> -> memref<1x!tpu.dma_semaphore, #tpu.memory_space<semaphore_mem>>
      %dma_start3A_932 = tpu.memref_squeeze %dma_start3A_931 : memref<1x!tpu.dma_semaphore, #tpu.memory_space<semaphore_mem>> -> memref<!tpu.dma_semaphore, #tpu.memory_space<semaphore_mem>>
      tpu.enqueue_indirect_dma source(%dma_start3A_930 : memref<8x128xf32, #tpu.memory_space<vmem_shared>>) target(%dma_start3A_926 : memref<40x128xf32, #tpu.memory_space<vmem>>) offsets(%dma_start3A_927 : memref<40xi32, #tpu.memory_space<vmem>>) semaphore(%dma_start3A_932 : memref<!tpu.dma_semaphore, #tpu.memory_space<semaphore_mem>>)
      %add3A_933 = arith.constant 0 : i32
      %add3A_934 = arith.addi %mul3A_573, %add3A_933 : i32
      %mul3A_935 = arith.constant 40 : i32
      %mul3A_936 = arith.muli %add3A_934, %mul3A_935 : i32
      %multiple_of3A_937 = tpu.assume_multiple %mul3A_936, 8 : i32
      %dma_wait3A_938 = arith.constant 0 : i32
      %dma_wait3A_939 = arith.constant 0 : i32
      %dma_wait3A_940 = arith.constant 0 : i32
      %dma_wait3A_941 = tpu.memref_slice %arg8[%dma_wait3A_939, %dma_wait3A_940] : memref<400x128xf32, #tpu.memory_space<vmem>> -> memref<40x128xf32, #tpu.memory_space<vmem>>
      %dma_wait3A_942 = tpu.memref_slice %arg7[%multiple_of3A_937] : memref<10000xi32, #tpu.memory_space<vmem>> -> memref<40xi32, #tpu.memory_space<vmem>>
      %dma_wait3A_943 = arith.constant 0 : i32
      %dma_wait3A_944 = arith.constant 0 : i32
      %dma_wait3A_945 = tpu.memref_slice %arg6[%dma_wait3A_943, %dma_wait3A_944] : memref<8x128xf32, #tpu.memory_space<vmem_shared>> -> memref<8x128xf32, #tpu.memory_space<vmem_shared>>
      %dma_wait3A_946 = tpu.memref_slice %arg10[%dma_wait3A_938] : memref<10x!tpu.dma_semaphore, #tpu.memory_space<semaphore_mem>> -> memref<1x!tpu.dma_semaphore, #tpu.memory_space<semaphore_mem>>
      %dma_wait3A_947 = tpu.memref_squeeze %dma_wait3A_946 : memref<1x!tpu.dma_semaphore, #tpu.memory_space<semaphore_mem>> -> memref<!tpu.dma_semaphore, #tpu.memory_space<semaphore_mem>>
      tpu.wait_indirect_dma semaphore(%dma_wait3A_947 : memref<!tpu.dma_semaphore, #tpu.memory_space<semaphore_mem>>) src(%dma_wait3A_945 : memref<8x128xf32, #tpu.memory_space<vmem_shared>>) dst(%dma_wait3A_941 : memref<40x128xf32, #tpu.memory_space<vmem>>)
      %add3A_948 = arith.constant 0 : i32
      %add3A_949 = arith.addi %mul3A_573, %add3A_948 : i32
      %mul3A_950 = arith.constant 40 : i32
      %mul3A_951 = arith.muli %add3A_949, %mul3A_950 : i32
      %add3A_952 = arith.addi %mul3A_2, %mul3A_951 : i32
      %multiple_of3A_953 = tpu.assume_multiple %add3A_952, 8 : i32
      %dma_start3A_954 = arith.constant 0 : i32
      %dma_start3A_955 = arith.constant 0 : i32
      %dma_start3A_956 = arith.constant 0 : i32
      %dma_start3A_957 = tpu.memref_slice %arg8[%dma_start3A_955, %dma_start3A_956] : memref<400x128xf32, #tpu.memory_space<vmem>> -> memref<40x128xf32, #tpu.memory_space<vmem>>
      %dma_start3A_958 = arith.constant 0 : i32
      %dma_start3A_959 = tpu.memref_slice %arg4[%multiple_of3A_953, %dma_start3A_958] : memref<320000x128xf32, #tpu.memory_space<hbm>> -> memref<40x128xf32, #tpu.memory_space<hbm>>
      %dma_start3A_960 = tpu.memref_slice %arg11[%dma_start3A_954] : memref<10x!tpu.dma_semaphore, #tpu.memory_space<semaphore_mem>> -> memref<1x!tpu.dma_semaphore, #tpu.memory_space<semaphore_mem>>
      %dma_start3A_961 = tpu.memref_squeeze %dma_start3A_960 : memref<1x!tpu.dma_semaphore, #tpu.memory_space<semaphore_mem>> -> memref<!tpu.dma_semaphore, #tpu.memory_space<semaphore_mem>>
      %dma_start3A_962 = arith.constant 0 : i32
      %dma_start3A_963 = tpu.memref_slice %arg4[%multiple_of3A_953, %dma_start3A_962] : memref<320000x128xf32, #tpu.memory_space<hbm>> -> memref<40x128xf32, #tpu.memory_space<hbm>>
      %dma_start3A_964 = arith.constant 0 : i32
      %dma_start3A_965 = arith.constant 0 : i32
      %dma_start3A_966 = tpu.memref_slice %arg8[%dma_start3A_964, %dma_start3A_965] : memref<400x128xf32, #tpu.memory_space<vmem>> -> memref<40x128xf32, #tpu.memory_space<vmem>>
      tpu.enqueue_dma source(%dma_start3A_966 : memref<40x128xf32, #tpu.memory_space<vmem>>) target(%dma_start3A_963 : memref<40x128xf32, #tpu.memory_space<hbm>>) target_semaphore(%dma_start3A_961 : memref<!tpu.dma_semaphore, #tpu.memory_space<semaphore_mem>>)
      %add3A_967 = arith.constant 1 : i32
      %add3A_968 = arith.addi %mul3A_573, %add3A_967 : i32
      %mul3A_969 = arith.constant 40 : i32
      %mul3A_970 = arith.muli %add3A_968, %mul3A_969 : i32
      %multiple_of3A_971 = tpu.assume_multiple %mul3A_970, 8 : i32
      %dma_wait3A_972 = arith.constant 1 : i32
      %dma_wait3A_973 = arith.constant 40 : i32
      %dma_wait3A_974 = arith.constant 0 : i32
      %dma_wait3A_975 = tpu.memref_slice %arg8[%dma_wait3A_973, %dma_wait3A_974] : memref<400x128xf32, #tpu.memory_space<vmem>> -> memref<40x128xf32, #tpu.memory_space<vmem>>
      %dma_wait3A_976 = tpu.memref_slice %arg7[%multiple_of3A_971] : memref<10000xi32, #tpu.memory_space<vmem>> -> memref<40xi32, #tpu.memory_space<vmem>>
      %dma_wait3A_977 = arith.constant 0 : i32
      %dma_wait3A_978 = arith.constant 0 : i32
      %dma_wait3A_979 = tpu.memref_slice %arg6[%dma_wait3A_977, %dma_wait3A_978] : memref<8x128xf32, #tpu.memory_space<vmem_shared>> -> memref<8x128xf32, #tpu.memory_space<vmem_shared>>
      %dma_wait3A_980 = tpu.memref_slice %arg10[%dma_wait3A_972] : memref<10x!tpu.dma_semaphore, #tpu.memory_space<semaphore_mem>> -> memref<1x!tpu.dma_semaphore, #tpu.memory_space<semaphore_mem>>
      %dma_wait3A_981 = tpu.memref_squeeze %dma_wait3A_980 : memref<1x!tpu.dma_semaphore, #tpu.memory_space<semaphore_mem>> -> memref<!tpu.dma_semaphore, #tpu.memory_space<semaphore_mem>>
      tpu.wait_indirect_dma semaphore(%dma_wait3A_981 : memref<!tpu.dma_semaphore, #tpu.memory_space<semaphore_mem>>) src(%dma_wait3A_979 : memref<8x128xf32, #tpu.memory_space<vmem_shared>>) dst(%dma_wait3A_975 : memref<40x128xf32, #tpu.memory_space<vmem>>)
      %add3A_982 = arith.constant 1 : i32
      %add3A_983 = arith.addi %mul3A_573, %add3A_982 : i32
      %mul3A_984 = arith.constant 40 : i32
      %mul3A_985 = arith.muli %add3A_983, %mul3A_984 : i32
      %add3A_986 = arith.addi %mul3A_2, %mul3A_985 : i32
      %multiple_of3A_987 = tpu.assume_multiple %add3A_986, 8 : i32
      %dma_start3A_988 = arith.constant 1 : i32
      %dma_start3A_989 = arith.constant 40 : i32
      %dma_start3A_990 = arith.constant 0 : i32
      %dma_start3A_991 = tpu.memref_slice %arg8[%dma_start3A_989, %dma_start3A_990] : memref<400x128xf32, #tpu.memory_space<vmem>> -> memref<40x128xf32, #tpu.memory_space<vmem>>
      %dma_start3A_992 = arith.constant 0 : i32
      %dma_start3A_993 = tpu.memref_slice %arg4[%multiple_of3A_987, %dma_start3A_992] : memref<320000x128xf32, #tpu.memory_space<hbm>> -> memref<40x128xf32, #tpu.memory_space<hbm>>
      %dma_start3A_994 = tpu.memref_slice %arg11[%dma_start3A_988] : memref<10x!tpu.dma_semaphore, #tpu.memory_space<semaphore_mem>> -> memref<1x!tpu.dma_semaphore, #tpu.memory_space<semaphore_mem>>
      %dma_start3A_995 = tpu.memref_squeeze %dma_start3A_994 : memref<1x!tpu.dma_semaphore, #tpu.memory_space<semaphore_mem>> -> memref<!tpu.dma_semaphore, #tpu.memory_space<semaphore_mem>>
      %dma_start3A_996 = arith.constant 0 : i32
      %dma_start3A_997 = tpu.memref_slice %arg4[%multiple_of3A_987, %dma_start3A_996] : memref<320000x128xf32, #tpu.memory_space<hbm>> -> memref<40x128xf32, #tpu.memory_space<hbm>>
      %dma_start3A_998 = arith.constant 40 : i32
      %dma_start3A_999 = arith.constant 0 : i32
      %dma_start3A_1000 = tpu.memref_slice %arg8[%dma_start3A_998, %dma_start3A_999] : memref<400x128xf32, #tpu.memory_space<vmem>> -> memref<40x128xf32, #tpu.memory_space<vmem>>
      tpu.enqueue_dma source(%dma_start3A_1000 : memref<40x128xf32, #tpu.memory_space<vmem>>) target(%dma_start3A_997 : memref<40x128xf32, #tpu.memory_space<hbm>>) target_semaphore(%dma_start3A_995 : memref<!tpu.dma_semaphore, #tpu.memory_space<semaphore_mem>>)
      %add3A_1001 = arith.constant 2 : i32
      %add3A_1002 = arith.addi %mul3A_573, %add3A_1001 : i32
      %mul3A_1003 = arith.constant 40 : i32
      %mul3A_1004 = arith.muli %add3A_1002, %mul3A_1003 : i32
      %multiple_of3A_1005 = tpu.assume_multiple %mul3A_1004, 8 : i32
      %dma_wait3A_1006 = arith.constant 2 : i32
      %dma_wait3A_1007 = arith.constant 80 : i32
      %dma_wait3A_1008 = arith.constant 0 : i32
      %dma_wait3A_1009 = tpu.memref_slice %arg8[%dma_wait3A_1007, %dma_wait3A_1008] : memref<400x128xf32, #tpu.memory_space<vmem>> -> memref<40x128xf32, #tpu.memory_space<vmem>>
      %dma_wait3A_1010 = tpu.memref_slice %arg7[%multiple_of3A_1005] : memref<10000xi32, #tpu.memory_space<vmem>> -> memref<40xi32, #tpu.memory_space<vmem>>
      %dma_wait3A_1011 = arith.constant 0 : i32
      %dma_wait3A_1012 = arith.constant 0 : i32
      %dma_wait3A_1013 = tpu.memref_slice %arg6[%dma_wait3A_1011, %dma_wait3A_1012] : memref<8x128xf32, #tpu.memory_space<vmem_shared>> -> memref<8x128xf32, #tpu.memory_space<vmem_shared>>
      %dma_wait3A_1014 = tpu.memref_slice %arg10[%dma_wait3A_1006] : memref<10x!tpu.dma_semaphore, #tpu.memory_space<semaphore_mem>> -> memref<1x!tpu.dma_semaphore, #tpu.memory_space<semaphore_mem>>
      %dma_wait3A_1015 = tpu.memref_squeeze %dma_wait3A_1014 : memref<1x!tpu.dma_semaphore, #tpu.memory_space<semaphore_mem>> -> memref<!tpu.dma_semaphore, #tpu.memory_space<semaphore_mem>>
      tpu.wait_indirect_dma semaphore(%dma_wait3A_1015 : memref<!tpu.dma_semaphore, #tpu.memory_space<semaphore_mem>>) src(%dma_wait3A_1013 : memref<8x128xf32, #tpu.memory_space<vmem_shared>>) dst(%dma_wait3A_1009 : memref<40x128xf32, #tpu.memory_space<vmem>>)
      %add3A_1016 = arith.constant 2 : i32
      %add3A_1017 = arith.addi %mul3A_573, %add3A_1016 : i32
      %mul3A_1018 = arith.constant 40 : i32
      %mul3A_1019 = arith.muli %add3A_1017, %mul3A_1018 : i32
      %add3A_1020 = arith.addi %mul3A_2, %mul3A_1019 : i32
      %multiple_of3A_1021 = tpu.assume_multiple %add3A_1020, 8 : i32
      %dma_start3A_1022 = arith.constant 2 : i32
      %dma_start3A_1023 = arith.constant 80 : i32
      %dma_start3A_1024 = arith.constant 0 : i32
      %dma_start3A_1025 = tpu.memref_slice %arg8[%dma_start3A_1023, %dma_start3A_1024] : memref<400x128xf32, #tpu.memory_space<vmem>> -> memref<40x128xf32, #tpu.memory_space<vmem>>
      %dma_start3A_1026 = arith.constant 0 : i32
      %dma_start3A_1027 = tpu.memref_slice %arg4[%multiple_of3A_1021, %dma_start3A_1026] : memref<320000x128xf32, #tpu.memory_space<hbm>> -> memref<40x128xf32, #tpu.memory_space<hbm>>
      %dma_start3A_1028 = tpu.memref_slice %arg11[%dma_start3A_1022] : memref<10x!tpu.dma_semaphore, #tpu.memory_space<semaphore_mem>> -> memref<1x!tpu.dma_semaphore, #tpu.memory_space<semaphore_mem>>
      %dma_start3A_1029 = tpu.memref_squeeze %dma_start3A_1028 : memref<1x!tpu.dma_semaphore, #tpu.memory_space<semaphore_mem>> -> memref<!tpu.dma_semaphore, #tpu.memory_space<semaphore_mem>>
      %dma_start3A_1030 = arith.constant 0 : i32
      %dma_start3A_1031 = tpu.memref_slice %arg4[%multiple_of3A_1021, %dma_start3A_1030] : memref<320000x128xf32, #tpu.memory_space<hbm>> -> memref<40x128xf32, #tpu.memory_space<hbm>>
      %dma_start3A_1032 = arith.constant 80 : i32
      %dma_start3A_1033 = arith.constant 0 : i32
      %dma_start3A_1034 = tpu.memref_slice %arg8[%dma_start3A_1032, %dma_start3A_1033] : memref<400x128xf32, #tpu.memory_space<vmem>> -> memref<40x128xf32, #tpu.memory_space<vmem>>
      tpu.enqueue_dma source(%dma_start3A_1034 : memref<40x128xf32, #tpu.memory_space<vmem>>) target(%dma_start3A_1031 : memref<40x128xf32, #tpu.memory_space<hbm>>) target_semaphore(%dma_start3A_1029 : memref<!tpu.dma_semaphore, #tpu.memory_space<semaphore_mem>>)
      %add3A_1035 = arith.constant 3 : i32
      %add3A_1036 = arith.addi %mul3A_573, %add3A_1035 : i32
      %mul3A_1037 = arith.constant 40 : i32
      %mul3A_1038 = arith.muli %add3A_1036, %mul3A_1037 : i32
      %multiple_of3A_1039 = tpu.assume_multiple %mul3A_1038, 8 : i32
      %dma_wait3A_1040 = arith.constant 3 : i32
      %dma_wait3A_1041 = arith.constant 120 : i32
      %dma_wait3A_1042 = arith.constant 0 : i32
      %dma_wait3A_1043 = tpu.memref_slice %arg8[%dma_wait3A_1041, %dma_wait3A_1042] : memref<400x128xf32, #tpu.memory_space<vmem>> -> memref<40x128xf32, #tpu.memory_space<vmem>>
      %dma_wait3A_1044 = tpu.memref_slice %arg7[%multiple_of3A_1039] : memref<10000xi32, #tpu.memory_space<vmem>> -> memref<40xi32, #tpu.memory_space<vmem>>
      %dma_wait3A_1045 = arith.constant 0 : i32
      %dma_wait3A_1046 = arith.constant 0 : i32
      %dma_wait3A_1047 = tpu.memref_slice %arg6[%dma_wait3A_1045, %dma_wait3A_1046] : memref<8x128xf32, #tpu.memory_space<vmem_shared>> -> memref<8x128xf32, #tpu.memory_space<vmem_shared>>
      %dma_wait3A_1048 = tpu.memref_slice %arg10[%dma_wait3A_1040] : memref<10x!tpu.dma_semaphore, #tpu.memory_space<semaphore_mem>> -> memref<1x!tpu.dma_semaphore, #tpu.memory_space<semaphore_mem>>
      %dma_wait3A_1049 = tpu.memref_squeeze %dma_wait3A_1048 : memref<1x!tpu.dma_semaphore, #tpu.memory_space<semaphore_mem>> -> memref<!tpu.dma_semaphore, #tpu.memory_space<semaphore_mem>>
      tpu.wait_indirect_dma semaphore(%dma_wait3A_1049 : memref<!tpu.dma_semaphore, #tpu.memory_space<semaphore_mem>>) src(%dma_wait3A_1047 : memref<8x128xf32, #tpu.memory_space<vmem_shared>>) dst(%dma_wait3A_1043 : memref<40x128xf32, #tpu.memory_space<vmem>>)
      %add3A_1050 = arith.constant 3 : i32
      %add3A_1051 = arith.addi %mul3A_573, %add3A_1050 : i32
      %mul3A_1052 = arith.constant 40 : i32
      %mul3A_1053 = arith.muli %add3A_1051, %mul3A_1052 : i32
      %add3A_1054 = arith.addi %mul3A_2, %mul3A_1053 : i32
      %multiple_of3A_1055 = tpu.assume_multiple %add3A_1054, 8 : i32
      %dma_start3A_1056 = arith.constant 3 : i32
      %dma_start3A_1057 = arith.constant 120 : i32
      %dma_start3A_1058 = arith.constant 0 : i32
      %dma_start3A_1059 = tpu.memref_slice %arg8[%dma_start3A_1057, %dma_start3A_1058] : memref<400x128xf32, #tpu.memory_space<vmem>> -> memref<40x128xf32, #tpu.memory_space<vmem>>
      %dma_start3A_1060 = arith.constant 0 : i32
      %dma_start3A_1061 = tpu.memref_slice %arg4[%multiple_of3A_1055, %dma_start3A_1060] : memref<320000x128xf32, #tpu.memory_space<hbm>> -> memref<40x128xf32, #tpu.memory_space<hbm>>
      %dma_start3A_1062 = tpu.memref_slice %arg11[%dma_start3A_1056] : memref<10x!tpu.dma_semaphore, #tpu.memory_space<semaphore_mem>> -> memref<1x!tpu.dma_semaphore, #tpu.memory_space<semaphore_mem>>
      %dma_start3A_1063 = tpu.memref_squeeze %dma_start3A_1062 : memref<1x!tpu.dma_semaphore, #tpu.memory_space<semaphore_mem>> -> memref<!tpu.dma_semaphore, #tpu.memory_space<semaphore_mem>>
      %dma_start3A_1064 = arith.constant 0 : i32
      %dma_start3A_1065 = tpu.memref_slice %arg4[%multiple_of3A_1055, %dma_start3A_1064] : memref<320000x128xf32, #tpu.memory_space<hbm>> -> memref<40x128xf32, #tpu.memory_space<hbm>>
      %dma_start3A_1066 = arith.constant 120 : i32
      %dma_start3A_1067 = arith.constant 0 : i32
      %dma_start3A_1068 = tpu.memref_slice %arg8[%dma_start3A_1066, %dma_start3A_1067] : memref<400x128xf32, #tpu.memory_space<vmem>> -> memref<40x128xf32, #tpu.memory_space<vmem>>
      tpu.enqueue_dma source(%dma_start3A_1068 : memref<40x128xf32, #tpu.memory_space<vmem>>) target(%dma_start3A_1065 : memref<40x128xf32, #tpu.memory_space<hbm>>) target_semaphore(%dma_start3A_1063 : memref<!tpu.dma_semaphore, #tpu.memory_space<semaphore_mem>>)
      %add3A_1069 = arith.constant 4 : i32
      %add3A_1070 = arith.addi %mul3A_573, %add3A_1069 : i32
      %mul3A_1071 = arith.constant 40 : i32
      %mul3A_1072 = arith.muli %add3A_1070, %mul3A_1071 : i32
      %multiple_of3A_1073 = tpu.assume_multiple %mul3A_1072, 8 : i32
      %dma_wait3A_1074 = arith.constant 4 : i32
      %dma_wait3A_1075 = arith.constant 160 : i32
      %dma_wait3A_1076 = arith.constant 0 : i32
      %dma_wait3A_1077 = tpu.memref_slice %arg8[%dma_wait3A_1075, %dma_wait3A_1076] : memref<400x128xf32, #tpu.memory_space<vmem>> -> memref<40x128xf32, #tpu.memory_space<vmem>>
      %dma_wait3A_1078 = tpu.memref_slice %arg7[%multiple_of3A_1073] : memref<10000xi32, #tpu.memory_space<vmem>> -> memref<40xi32, #tpu.memory_space<vmem>>
      %dma_wait3A_1079 = arith.constant 0 : i32
      %dma_wait3A_1080 = arith.constant 0 : i32
      %dma_wait3A_1081 = tpu.memref_slice %arg6[%dma_wait3A_1079, %dma_wait3A_1080] : memref<8x128xf32, #tpu.memory_space<vmem_shared>> -> memref<8x128xf32, #tpu.memory_space<vmem_shared>>
      %dma_wait3A_1082 = tpu.memref_slice %arg10[%dma_wait3A_1074] : memref<10x!tpu.dma_semaphore, #tpu.memory_space<semaphore_mem>> -> memref<1x!tpu.dma_semaphore, #tpu.memory_space<semaphore_mem>>
      %dma_wait3A_1083 = tpu.memref_squeeze %dma_wait3A_1082 : memref<1x!tpu.dma_semaphore, #tpu.memory_space<semaphore_mem>> -> memref<!tpu.dma_semaphore, #tpu.memory_space<semaphore_mem>>
      tpu.wait_indirect_dma semaphore(%dma_wait3A_1083 : memref<!tpu.dma_semaphore, #tpu.memory_space<semaphore_mem>>) src(%dma_wait3A_1081 : memref<8x128xf32, #tpu.memory_space<vmem_shared>>) dst(%dma_wait3A_1077 : memref<40x128xf32, #tpu.memory_space<vmem>>)
      %add3A_1084 = arith.constant 4 : i32
      %add3A_1085 = arith.addi %mul3A_573, %add3A_1084 : i32
      %mul3A_1086 = arith.constant 40 : i32
      %mul3A_1087 = arith.muli %add3A_1085, %mul3A_1086 : i32
      %add3A_1088 = arith.addi %mul3A_2, %mul3A_1087 : i32
      %multiple_of3A_1089 = tpu.assume_multiple %add3A_1088, 8 : i32
      %dma_start3A_1090 = arith.constant 4 : i32
      %dma_start3A_1091 = arith.constant 160 : i32
      %dma_start3A_1092 = arith.constant 0 : i32
      %dma_start3A_1093 = tpu.memref_slice %arg8[%dma_start3A_1091, %dma_start3A_1092] : memref<400x128xf32, #tpu.memory_space<vmem>> -> memref<40x128xf32, #tpu.memory_space<vmem>>
      %dma_start3A_1094 = arith.constant 0 : i32
      %dma_start3A_1095 = tpu.memref_slice %arg4[%multiple_of3A_1089, %dma_start3A_1094] : memref<320000x128xf32, #tpu.memory_space<hbm>> -> memref<40x128xf32, #tpu.memory_space<hbm>>
      %dma_start3A_1096 = tpu.memref_slice %arg11[%dma_start3A_1090] : memref<10x!tpu.dma_semaphore, #tpu.memory_space<semaphore_mem>> -> memref<1x!tpu.dma_semaphore, #tpu.memory_space<semaphore_mem>>
      %dma_start3A_1097 = tpu.memref_squeeze %dma_start3A_1096 : memref<1x!tpu.dma_semaphore, #tpu.memory_space<semaphore_mem>> -> memref<!tpu.dma_semaphore, #tpu.memory_space<semaphore_mem>>
      %dma_start3A_1098 = arith.constant 0 : i32
      %dma_start3A_1099 = tpu.memref_slice %arg4[%multiple_of3A_1089, %dma_start3A_1098] : memref<320000x128xf32, #tpu.memory_space<hbm>> -> memref<40x128xf32, #tpu.memory_space<hbm>>
      %dma_start3A_1100 = arith.constant 160 : i32
      %dma_start3A_1101 = arith.constant 0 : i32
      %dma_start3A_1102 = tpu.memref_slice %arg8[%dma_start3A_1100, %dma_start3A_1101] : memref<400x128xf32, #tpu.memory_space<vmem>> -> memref<40x128xf32, #tpu.memory_space<vmem>>
      tpu.enqueue_dma source(%dma_start3A_1102 : memref<40x128xf32, #tpu.memory_space<vmem>>) target(%dma_start3A_1099 : memref<40x128xf32, #tpu.memory_space<hbm>>) target_semaphore(%dma_start3A_1097 : memref<!tpu.dma_semaphore, #tpu.memory_space<semaphore_mem>>)
      %add3A_1103 = arith.constant 5 : i32
      %add3A_1104 = arith.addi %mul3A_573, %add3A_1103 : i32
      %mul3A_1105 = arith.constant 40 : i32
      %mul3A_1106 = arith.muli %add3A_1104, %mul3A_1105 : i32
      %multiple_of3A_1107 = tpu.assume_multiple %mul3A_1106, 8 : i32
      %dma_wait3A_1108 = arith.constant 5 : i32
      %dma_wait3A_1109 = arith.constant 200 : i32
      %dma_wait3A_1110 = arith.constant 0 : i32
      %dma_wait3A_1111 = tpu.memref_slice %arg8[%dma_wait3A_1109, %dma_wait3A_1110] : memref<400x128xf32, #tpu.memory_space<vmem>> -> memref<40x128xf32, #tpu.memory_space<vmem>>
      %dma_wait3A_1112 = tpu.memref_slice %arg7[%multiple_of3A_1107] : memref<10000xi32, #tpu.memory_space<vmem>> -> memref<40xi32, #tpu.memory_space<vmem>>
      %dma_wait3A_1113 = arith.constant 0 : i32
      %dma_wait3A_1114 = arith.constant 0 : i32
      %dma_wait3A_1115 = tpu.memref_slice %arg6[%dma_wait3A_1113, %dma_wait3A_1114] : memref<8x128xf32, #tpu.memory_space<vmem_shared>> -> memref<8x128xf32, #tpu.memory_space<vmem_shared>>
      %dma_wait3A_1116 = tpu.memref_slice %arg10[%dma_wait3A_1108] : memref<10x!tpu.dma_semaphore, #tpu.memory_space<semaphore_mem>> -> memref<1x!tpu.dma_semaphore, #tpu.memory_space<semaphore_mem>>
      %dma_wait3A_1117 = tpu.memref_squeeze %dma_wait3A_1116 : memref<1x!tpu.dma_semaphore, #tpu.memory_space<semaphore_mem>> -> memref<!tpu.dma_semaphore, #tpu.memory_space<semaphore_mem>>
      tpu.wait_indirect_dma semaphore(%dma_wait3A_1117 : memref<!tpu.dma_semaphore, #tpu.memory_space<semaphore_mem>>) src(%dma_wait3A_1115 : memref<8x128xf32, #tpu.memory_space<vmem_shared>>) dst(%dma_wait3A_1111 : memref<40x128xf32, #tpu.memory_space<vmem>>)
      %add3A_1118 = arith.constant 5 : i32
      %add3A_1119 = arith.addi %mul3A_573, %add3A_1118 : i32
      %mul3A_1120 = arith.constant 40 : i32
      %mul3A_1121 = arith.muli %add3A_1119, %mul3A_1120 : i32
      %add3A_1122 = arith.addi %mul3A_2, %mul3A_1121 : i32
      %multiple_of3A_1123 = tpu.assume_multiple %add3A_1122, 8 : i32
      %dma_start3A_1124 = arith.constant 5 : i32
      %dma_start3A_1125 = arith.constant 200 : i32
      %dma_start3A_1126 = arith.constant 0 : i32
      %dma_start3A_1127 = tpu.memref_slice %arg8[%dma_start3A_1125, %dma_start3A_1126] : memref<400x128xf32, #tpu.memory_space<vmem>> -> memref<40x128xf32, #tpu.memory_space<vmem>>
      %dma_start3A_1128 = arith.constant 0 : i32
      %dma_start3A_1129 = tpu.memref_slice %arg4[%multiple_of3A_1123, %dma_start3A_1128] : memref<320000x128xf32, #tpu.memory_space<hbm>> -> memref<40x128xf32, #tpu.memory_space<hbm>>
      %dma_start3A_1130 = tpu.memref_slice %arg11[%dma_start3A_1124] : memref<10x!tpu.dma_semaphore, #tpu.memory_space<semaphore_mem>> -> memref<1x!tpu.dma_semaphore, #tpu.memory_space<semaphore_mem>>
      %dma_start3A_1131 = tpu.memref_squeeze %dma_start3A_1130 : memref<1x!tpu.dma_semaphore, #tpu.memory_space<semaphore_mem>> -> memref<!tpu.dma_semaphore, #tpu.memory_space<semaphore_mem>>
      %dma_start3A_1132 = arith.constant 0 : i32
      %dma_start3A_1133 = tpu.memref_slice %arg4[%multiple_of3A_1123, %dma_start3A_1132] : memref<320000x128xf32, #tpu.memory_space<hbm>> -> memref<40x128xf32, #tpu.memory_space<hbm>>
      %dma_start3A_1134 = arith.constant 200 : i32
      %dma_start3A_1135 = arith.constant 0 : i32
      %dma_start3A_1136 = tpu.memref_slice %arg8[%dma_start3A_1134, %dma_start3A_1135] : memref<400x128xf32, #tpu.memory_space<vmem>> -> memref<40x128xf32, #tpu.memory_space<vmem>>
      tpu.enqueue_dma source(%dma_start3A_1136 : memref<40x128xf32, #tpu.memory_space<vmem>>) target(%dma_start3A_1133 : memref<40x128xf32, #tpu.memory_space<hbm>>) target_semaphore(%dma_start3A_1131 : memref<!tpu.dma_semaphore, #tpu.memory_space<semaphore_mem>>)
      %add3A_1137 = arith.constant 6 : i32
      %add3A_1138 = arith.addi %mul3A_573, %add3A_1137 : i32
      %mul3A_1139 = arith.constant 40 : i32
      %mul3A_1140 = arith.muli %add3A_1138, %mul3A_1139 : i32
      %multiple_of3A_1141 = tpu.assume_multiple %mul3A_1140, 8 : i32
      %dma_wait3A_1142 = arith.constant 6 : i32
      %dma_wait3A_1143 = arith.constant 240 : i32
      %dma_wait3A_1144 = arith.constant 0 : i32
      %dma_wait3A_1145 = tpu.memref_slice %arg8[%dma_wait3A_1143, %dma_wait3A_1144] : memref<400x128xf32, #tpu.memory_space<vmem>> -> memref<40x128xf32, #tpu.memory_space<vmem>>
      %dma_wait3A_1146 = tpu.memref_slice %arg7[%multiple_of3A_1141] : memref<10000xi32, #tpu.memory_space<vmem>> -> memref<40xi32, #tpu.memory_space<vmem>>
      %dma_wait3A_1147 = arith.constant 0 : i32
      %dma_wait3A_1148 = arith.constant 0 : i32
      %dma_wait3A_1149 = tpu.memref_slice %arg6[%dma_wait3A_1147, %dma_wait3A_1148] : memref<8x128xf32, #tpu.memory_space<vmem_shared>> -> memref<8x128xf32, #tpu.memory_space<vmem_shared>>
      %dma_wait3A_1150 = tpu.memref_slice %arg10[%dma_wait3A_1142] : memref<10x!tpu.dma_semaphore, #tpu.memory_space<semaphore_mem>> -> memref<1x!tpu.dma_semaphore, #tpu.memory_space<semaphore_mem>>
      %dma_wait3A_1151 = tpu.memref_squeeze %dma_wait3A_1150 : memref<1x!tpu.dma_semaphore, #tpu.memory_space<semaphore_mem>> -> memref<!tpu.dma_semaphore, #tpu.memory_space<semaphore_mem>>
      tpu.wait_indirect_dma semaphore(%dma_wait3A_1151 : memref<!tpu.dma_semaphore, #tpu.memory_space<semaphore_mem>>) src(%dma_wait3A_1149 : memref<8x128xf32, #tpu.memory_space<vmem_shared>>) dst(%dma_wait3A_1145 : memref<40x128xf32, #tpu.memory_space<vmem>>)
      %add3A_1152 = arith.constant 6 : i32
      %add3A_1153 = arith.addi %mul3A_573, %add3A_1152 : i32
      %mul3A_1154 = arith.constant 40 : i32
      %mul3A_1155 = arith.muli %add3A_1153, %mul3A_1154 : i32
      %add3A_1156 = arith.addi %mul3A_2, %mul3A_1155 : i32
      %multiple_of3A_1157 = tpu.assume_multiple %add3A_1156, 8 : i32
      %dma_start3A_1158 = arith.constant 6 : i32
      %dma_start3A_1159 = arith.constant 240 : i32
      %dma_start3A_1160 = arith.constant 0 : i32
      %dma_start3A_1161 = tpu.memref_slice %arg8[%dma_start3A_1159, %dma_start3A_1160] : memref<400x128xf32, #tpu.memory_space<vmem>> -> memref<40x128xf32, #tpu.memory_space<vmem>>
      %dma_start3A_1162 = arith.constant 0 : i32
      %dma_start3A_1163 = tpu.memref_slice %arg4[%multiple_of3A_1157, %dma_start3A_1162] : memref<320000x128xf32, #tpu.memory_space<hbm>> -> memref<40x128xf32, #tpu.memory_space<hbm>>
      %dma_start3A_1164 = tpu.memref_slice %arg11[%dma_start3A_1158] : memref<10x!tpu.dma_semaphore, #tpu.memory_space<semaphore_mem>> -> memref<1x!tpu.dma_semaphore, #tpu.memory_space<semaphore_mem>>
      %dma_start3A_1165 = tpu.memref_squeeze %dma_start3A_1164 : memref<1x!tpu.dma_semaphore, #tpu.memory_space<semaphore_mem>> -> memref<!tpu.dma_semaphore, #tpu.memory_space<semaphore_mem>>
      %dma_start3A_1166 = arith.constant 0 : i32
      %dma_start3A_1167 = tpu.memref_slice %arg4[%multiple_of3A_1157, %dma_start3A_1166] : memref<320000x128xf32, #tpu.memory_space<hbm>> -> memref<40x128xf32, #tpu.memory_space<hbm>>
      %dma_start3A_1168 = arith.constant 240 : i32
      %dma_start3A_1169 = arith.constant 0 : i32
      %dma_start3A_1170 = tpu.memref_slice %arg8[%dma_start3A_1168, %dma_start3A_1169] : memref<400x128xf32, #tpu.memory_space<vmem>> -> memref<40x128xf32, #tpu.memory_space<vmem>>
      tpu.enqueue_dma source(%dma_start3A_1170 : memref<40x128xf32, #tpu.memory_space<vmem>>) target(%dma_start3A_1167 : memref<40x128xf32, #tpu.memory_space<hbm>>) target_semaphore(%dma_start3A_1165 : memref<!tpu.dma_semaphore, #tpu.memory_space<semaphore_mem>>)
      %add3A_1171 = arith.constant 7 : i32
      %add3A_1172 = arith.addi %mul3A_573, %add3A_1171 : i32
      %mul3A_1173 = arith.constant 40 : i32
      %mul3A_1174 = arith.muli %add3A_1172, %mul3A_1173 : i32
      %multiple_of3A_1175 = tpu.assume_multiple %mul3A_1174, 8 : i32
      %dma_wait3A_1176 = arith.constant 7 : i32
      %dma_wait3A_1177 = arith.constant 280 : i32
      %dma_wait3A_1178 = arith.constant 0 : i32
      %dma_wait3A_1179 = tpu.memref_slice %arg8[%dma_wait3A_1177, %dma_wait3A_1178] : memref<400x128xf32, #tpu.memory_space<vmem>> -> memref<40x128xf32, #tpu.memory_space<vmem>>
      %dma_wait3A_1180 = tpu.memref_slice %arg7[%multiple_of3A_1175] : memref<10000xi32, #tpu.memory_space<vmem>> -> memref<40xi32, #tpu.memory_space<vmem>>
      %dma_wait3A_1181 = arith.constant 0 : i32
      %dma_wait3A_1182 = arith.constant 0 : i32
      %dma_wait3A_1183 = tpu.memref_slice %arg6[%dma_wait3A_1181, %dma_wait3A_1182] : memref<8x128xf32, #tpu.memory_space<vmem_shared>> -> memref<8x128xf32, #tpu.memory_space<vmem_shared>>
      %dma_wait3A_1184 = tpu.memref_slice %arg10[%dma_wait3A_1176] : memref<10x!tpu.dma_semaphore, #tpu.memory_space<semaphore_mem>> -> memref<1x!tpu.dma_semaphore, #tpu.memory_space<semaphore_mem>>
      %dma_wait3A_1185 = tpu.memref_squeeze %dma_wait3A_1184 : memref<1x!tpu.dma_semaphore, #tpu.memory_space<semaphore_mem>> -> memref<!tpu.dma_semaphore, #tpu.memory_space<semaphore_mem>>
      tpu.wait_indirect_dma semaphore(%dma_wait3A_1185 : memref<!tpu.dma_semaphore, #tpu.memory_space<semaphore_mem>>) src(%dma_wait3A_1183 : memref<8x128xf32, #tpu.memory_space<vmem_shared>>) dst(%dma_wait3A_1179 : memref<40x128xf32, #tpu.memory_space<vmem>>)
      %add3A_1186 = arith.constant 7 : i32
      %add3A_1187 = arith.addi %mul3A_573, %add3A_1186 : i32
      %mul3A_1188 = arith.constant 40 : i32
      %mul3A_1189 = arith.muli %add3A_1187, %mul3A_1188 : i32
      %add3A_1190 = arith.addi %mul3A_2, %mul3A_1189 : i32
      %multiple_of3A_1191 = tpu.assume_multiple %add3A_1190, 8 : i32
      %dma_start3A_1192 = arith.constant 7 : i32
      %dma_start3A_1193 = arith.constant 280 : i32
      %dma_start3A_1194 = arith.constant 0 : i32
      %dma_start3A_1195 = tpu.memref_slice %arg8[%dma_start3A_1193, %dma_start3A_1194] : memref<400x128xf32, #tpu.memory_space<vmem>> -> memref<40x128xf32, #tpu.memory_space<vmem>>
      %dma_start3A_1196 = arith.constant 0 : i32
      %dma_start3A_1197 = tpu.memref_slice %arg4[%multiple_of3A_1191, %dma_start3A_1196] : memref<320000x128xf32, #tpu.memory_space<hbm>> -> memref<40x128xf32, #tpu.memory_space<hbm>>
      %dma_start3A_1198 = tpu.memref_slice %arg11[%dma_start3A_1192] : memref<10x!tpu.dma_semaphore, #tpu.memory_space<semaphore_mem>> -> memref<1x!tpu.dma_semaphore, #tpu.memory_space<semaphore_mem>>
      %dma_start3A_1199 = tpu.memref_squeeze %dma_start3A_1198 : memref<1x!tpu.dma_semaphore, #tpu.memory_space<semaphore_mem>> -> memref<!tpu.dma_semaphore, #tpu.memory_space<semaphore_mem>>
      %dma_start3A_1200 = arith.constant 0 : i32
      %dma_start3A_1201 = tpu.memref_slice %arg4[%multiple_of3A_1191, %dma_start3A_1200] : memref<320000x128xf32, #tpu.memory_space<hbm>> -> memref<40x128xf32, #tpu.memory_space<hbm>>
      %dma_start3A_1202 = arith.constant 280 : i32
      %dma_start3A_1203 = arith.constant 0 : i32
      %dma_start3A_1204 = tpu.memref_slice %arg8[%dma_start3A_1202, %dma_start3A_1203] : memref<400x128xf32, #tpu.memory_space<vmem>> -> memref<40x128xf32, #tpu.memory_space<vmem>>
      tpu.enqueue_dma source(%dma_start3A_1204 : memref<40x128xf32, #tpu.memory_space<vmem>>) target(%dma_start3A_1201 : memref<40x128xf32, #tpu.memory_space<hbm>>) target_semaphore(%dma_start3A_1199 : memref<!tpu.dma_semaphore, #tpu.memory_space<semaphore_mem>>)
      %add3A_1205 = arith.constant 8 : i32
      %add3A_1206 = arith.addi %mul3A_573, %add3A_1205 : i32
      %mul3A_1207 = arith.constant 40 : i32
      %mul3A_1208 = arith.muli %add3A_1206, %mul3A_1207 : i32
      %multiple_of3A_1209 = tpu.assume_multiple %mul3A_1208, 8 : i32
      %dma_wait3A_1210 = arith.constant 8 : i32
      %dma_wait3A_1211 = arith.constant 320 : i32
      %dma_wait3A_1212 = arith.constant 0 : i32
      %dma_wait3A_1213 = tpu.memref_slice %arg8[%dma_wait3A_1211, %dma_wait3A_1212] : memref<400x128xf32, #tpu.memory_space<vmem>> -> memref<40x128xf32, #tpu.memory_space<vmem>>
      %dma_wait3A_1214 = tpu.memref_slice %arg7[%multiple_of3A_1209] : memref<10000xi32, #tpu.memory_space<vmem>> -> memref<40xi32, #tpu.memory_space<vmem>>
      %dma_wait3A_1215 = arith.constant 0 : i32
      %dma_wait3A_1216 = arith.constant 0 : i32
      %dma_wait3A_1217 = tpu.memref_slice %arg6[%dma_wait3A_1215, %dma_wait3A_1216] : memref<8x128xf32, #tpu.memory_space<vmem_shared>> -> memref<8x128xf32, #tpu.memory_space<vmem_shared>>
      %dma_wait3A_1218 = tpu.memref_slice %arg10[%dma_wait3A_1210] : memref<10x!tpu.dma_semaphore, #tpu.memory_space<semaphore_mem>> -> memref<1x!tpu.dma_semaphore, #tpu.memory_space<semaphore_mem>>
      %dma_wait3A_1219 = tpu.memref_squeeze %dma_wait3A_1218 : memref<1x!tpu.dma_semaphore, #tpu.memory_space<semaphore_mem>> -> memref<!tpu.dma_semaphore, #tpu.memory_space<semaphore_mem>>
      tpu.wait_indirect_dma semaphore(%dma_wait3A_1219 : memref<!tpu.dma_semaphore, #tpu.memory_space<semaphore_mem>>) src(%dma_wait3A_1217 : memref<8x128xf32, #tpu.memory_space<vmem_shared>>) dst(%dma_wait3A_1213 : memref<40x128xf32, #tpu.memory_space<vmem>>)
      %add3A_1220 = arith.constant 8 : i32
      %add3A_1221 = arith.addi %mul3A_573, %add3A_1220 : i32
      %mul3A_1222 = arith.constant 40 : i32
      %mul3A_1223 = arith.muli %add3A_1221, %mul3A_1222 : i32
      %add3A_1224 = arith.addi %mul3A_2, %mul3A_1223 : i32
      %multiple_of3A_1225 = tpu.assume_multiple %add3A_1224, 8 : i32
      %dma_start3A_1226 = arith.constant 8 : i32
      %dma_start3A_1227 = arith.constant 320 : i32
      %dma_start3A_1228 = arith.constant 0 : i32
      %dma_start3A_1229 = tpu.memref_slice %arg8[%dma_start3A_1227, %dma_start3A_1228] : memref<400x128xf32, #tpu.memory_space<vmem>> -> memref<40x128xf32, #tpu.memory_space<vmem>>
      %dma_start3A_1230 = arith.constant 0 : i32
      %dma_start3A_1231 = tpu.memref_slice %arg4[%multiple_of3A_1225, %dma_start3A_1230] : memref<320000x128xf32, #tpu.memory_space<hbm>> -> memref<40x128xf32, #tpu.memory_space<hbm>>
      %dma_start3A_1232 = tpu.memref_slice %arg11[%dma_start3A_1226] : memref<10x!tpu.dma_semaphore, #tpu.memory_space<semaphore_mem>> -> memref<1x!tpu.dma_semaphore, #tpu.memory_space<semaphore_mem>>
      %dma_start3A_1233 = tpu.memref_squeeze %dma_start3A_1232 : memref<1x!tpu.dma_semaphore, #tpu.memory_space<semaphore_mem>> -> memref<!tpu.dma_semaphore, #tpu.memory_space<semaphore_mem>>
      %dma_start3A_1234 = arith.constant 0 : i32
      %dma_start3A_1235 = tpu.memref_slice %arg4[%multiple_of3A_1225, %dma_start3A_1234] : memref<320000x128xf32, #tpu.memory_space<hbm>> -> memref<40x128xf32, #tpu.memory_space<hbm>>
      %dma_start3A_1236 = arith.constant 320 : i32
      %dma_start3A_1237 = arith.constant 0 : i32
      %dma_start3A_1238 = tpu.memref_slice %arg8[%dma_start3A_1236, %dma_start3A_1237] : memref<400x128xf32, #tpu.memory_space<vmem>> -> memref<40x128xf32, #tpu.memory_space<vmem>>
      tpu.enqueue_dma source(%dma_start3A_1238 : memref<40x128xf32, #tpu.memory_space<vmem>>) target(%dma_start3A_1235 : memref<40x128xf32, #tpu.memory_space<hbm>>) target_semaphore(%dma_start3A_1233 : memref<!tpu.dma_semaphore, #tpu.memory_space<semaphore_mem>>)
      %add3A_1239 = arith.constant 9 : i32
      %add3A_1240 = arith.addi %mul3A_573, %add3A_1239 : i32
      %mul3A_1241 = arith.constant 40 : i32
      %mul3A_1242 = arith.muli %add3A_1240, %mul3A_1241 : i32
      %multiple_of3A_1243 = tpu.assume_multiple %mul3A_1242, 8 : i32
      %dma_wait3A_1244 = arith.constant 9 : i32
      %dma_wait3A_1245 = arith.constant 360 : i32
      %dma_wait3A_1246 = arith.constant 0 : i32
      %dma_wait3A_1247 = tpu.memref_slice %arg8[%dma_wait3A_1245, %dma_wait3A_1246] : memref<400x128xf32, #tpu.memory_space<vmem>> -> memref<40x128xf32, #tpu.memory_space<vmem>>
      %dma_wait3A_1248 = tpu.memref_slice %arg7[%multiple_of3A_1243] : memref<10000xi32, #tpu.memory_space<vmem>> -> memref<40xi32, #tpu.memory_space<vmem>>
      %dma_wait3A_1249 = arith.constant 0 : i32
      %dma_wait3A_1250 = arith.constant 0 : i32
      %dma_wait3A_1251 = tpu.memref_slice %arg6[%dma_wait3A_1249, %dma_wait3A_1250] : memref<8x128xf32, #tpu.memory_space<vmem_shared>> -> memref<8x128xf32, #tpu.memory_space<vmem_shared>>
      %dma_wait3A_1252 = tpu.memref_slice %arg10[%dma_wait3A_1244] : memref<10x!tpu.dma_semaphore, #tpu.memory_space<semaphore_mem>> -> memref<1x!tpu.dma_semaphore, #tpu.memory_space<semaphore_mem>>
      %dma_wait3A_1253 = tpu.memref_squeeze %dma_wait3A_1252 : memref<1x!tpu.dma_semaphore, #tpu.memory_space<semaphore_mem>> -> memref<!tpu.dma_semaphore, #tpu.memory_space<semaphore_mem>>
      tpu.wait_indirect_dma semaphore(%dma_wait3A_1253 : memref<!tpu.dma_semaphore, #tpu.memory_space<semaphore_mem>>) src(%dma_wait3A_1251 : memref<8x128xf32, #tpu.memory_space<vmem_shared>>) dst(%dma_wait3A_1247 : memref<40x128xf32, #tpu.memory_space<vmem>>)
      %add3A_1254 = arith.constant 9 : i32
      %add3A_1255 = arith.addi %mul3A_573, %add3A_1254 : i32
      %mul3A_1256 = arith.constant 40 : i32
      %mul3A_1257 = arith.muli %add3A_1255, %mul3A_1256 : i32
      %add3A_1258 = arith.addi %mul3A_2, %mul3A_1257 : i32
      %multiple_of3A_1259 = tpu.assume_multiple %add3A_1258, 8 : i32
      %dma_start3A_1260 = arith.constant 9 : i32
      %dma_start3A_1261 = arith.constant 360 : i32
      %dma_start3A_1262 = arith.constant 0 : i32
      %dma_start3A_1263 = tpu.memref_slice %arg8[%dma_start3A_1261, %dma_start3A_1262] : memref<400x128xf32, #tpu.memory_space<vmem>> -> memref<40x128xf32, #tpu.memory_space<vmem>>
      %dma_start3A_1264 = arith.constant 0 : i32
      %dma_start3A_1265 = tpu.memref_slice %arg4[%multiple_of3A_1259, %dma_start3A_1264] : memref<320000x128xf32, #tpu.memory_space<hbm>> -> memref<40x128xf32, #tpu.memory_space<hbm>>
      %dma_start3A_1266 = tpu.memref_slice %arg11[%dma_start3A_1260] : memref<10x!tpu.dma_semaphore, #tpu.memory_space<semaphore_mem>> -> memref<1x!tpu.dma_semaphore, #tpu.memory_space<semaphore_mem>>
      %dma_start3A_1267 = tpu.memref_squeeze %dma_start3A_1266 : memref<1x!tpu.dma_semaphore, #tpu.memory_space<semaphore_mem>> -> memref<!tpu.dma_semaphore, #tpu.memory_space<semaphore_mem>>
      %dma_start3A_1268 = arith.constant 0 : i32
      %dma_start3A_1269 = tpu.memref_slice %arg4[%multiple_of3A_1259, %dma_start3A_1268] : memref<320000x128xf32, #tpu.memory_space<hbm>> -> memref<40x128xf32, #tpu.memory_space<hbm>>
      %dma_start3A_1270 = arith.constant 360 : i32
      %dma_start3A_1271 = arith.constant 0 : i32
      %dma_start3A_1272 = tpu.memref_slice %arg8[%dma_start3A_1270, %dma_start3A_1271] : memref<400x128xf32, #tpu.memory_space<vmem>> -> memref<40x128xf32, #tpu.memory_space<vmem>>
      tpu.enqueue_dma source(%dma_start3A_1272 : memref<40x128xf32, #tpu.memory_space<vmem>>) target(%dma_start3A_1269 : memref<40x128xf32, #tpu.memory_space<hbm>>) target_semaphore(%dma_start3A_1267 : memref<!tpu.dma_semaphore, #tpu.memory_space<semaphore_mem>>)
    }
    %scan3A_410 = arith.constant 24 : i32
    %add3A_411 = arith.constant 9600 : i32
    %add3A_412 = arith.addi %mul3A_2, %add3A_411 : i32
    %multiple_of3A_413 = tpu.assume_multiple %add3A_412, 8 : i32
    %dma_wait3A_414 = arith.constant 0 : i32
    %dma_wait3A_415 = arith.constant 0 : i32
    %dma_wait3A_416 = arith.constant 0 : i32
    %dma_wait3A_417 = tpu.memref_slice %arg8[%dma_wait3A_415, %dma_wait3A_416] : memref<400x128xf32, #tpu.memory_space<vmem>> -> memref<40x128xf32, #tpu.memory_space<vmem>>
    %dma_wait3A_418 = arith.constant 0 : i32
    %dma_wait3A_419 = tpu.memref_slice %arg4[%multiple_of3A_413, %dma_wait3A_418] : memref<320000x128xf32, #tpu.memory_space<hbm>> -> memref<40x128xf32, #tpu.memory_space<hbm>>
    %dma_wait3A_420 = tpu.memref_slice %arg11[%dma_wait3A_414] : memref<10x!tpu.dma_semaphore, #tpu.memory_space<semaphore_mem>> -> memref<1x!tpu.dma_semaphore, #tpu.memory_space<semaphore_mem>>
    %dma_wait3A_421 = tpu.memref_squeeze %dma_wait3A_420 : memref<1x!tpu.dma_semaphore, #tpu.memory_space<semaphore_mem>> -> memref<!tpu.dma_semaphore, #tpu.memory_space<semaphore_mem>>
    %dma_wait3A_422 = arith.constant 0 : i32
    %dma_wait3A_423 = tpu.memref_slice %arg4[%multiple_of3A_413, %dma_wait3A_422] : memref<320000x128xf32, #tpu.memory_space<hbm>> -> memref<40x128xf32, #tpu.memory_space<hbm>>
    %dma_wait3A_424 = arith.constant 0 : i32
    %dma_wait3A_425 = arith.constant 0 : i32
    %dma_wait3A_426 = tpu.memref_slice %arg8[%dma_wait3A_424, %dma_wait3A_425] : memref<400x128xf32, #tpu.memory_space<vmem>> -> memref<40x128xf32, #tpu.memory_space<vmem>>
    tpu.wait_dma2 semaphore(%dma_wait3A_421 : memref<!tpu.dma_semaphore, #tpu.memory_space<semaphore_mem>>) src(%dma_wait3A_426 : memref<40x128xf32, #tpu.memory_space<vmem>>) dst(%dma_wait3A_423 : memref<40x128xf32, #tpu.memory_space<hbm>>)
    %add3A_427 = arith.constant 9640 : i32
    %add3A_428 = arith.addi %mul3A_2, %add3A_427 : i32
    %multiple_of3A_429 = tpu.assume_multiple %add3A_428, 8 : i32
    %dma_wait3A_430 = arith.constant 1 : i32
    %dma_wait3A_431 = arith.constant 40 : i32
    %dma_wait3A_432 = arith.constant 0 : i32
    %dma_wait3A_433 = tpu.memref_slice %arg8[%dma_wait3A_431, %dma_wait3A_432] : memref<400x128xf32, #tpu.memory_space<vmem>> -> memref<40x128xf32, #tpu.memory_space<vmem>>
    %dma_wait3A_434 = arith.constant 0 : i32
    %dma_wait3A_435 = tpu.memref_slice %arg4[%multiple_of3A_429, %dma_wait3A_434] : memref<320000x128xf32, #tpu.memory_space<hbm>> -> memref<40x128xf32, #tpu.memory_space<hbm>>
    %dma_wait3A_436 = tpu.memref_slice %arg11[%dma_wait3A_430] : memref<10x!tpu.dma_semaphore, #tpu.memory_space<semaphore_mem>> -> memref<1x!tpu.dma_semaphore, #tpu.memory_space<semaphore_mem>>
    %dma_wait3A_437 = tpu.memref_squeeze %dma_wait3A_436 : memref<1x!tpu.dma_semaphore, #tpu.memory_space<semaphore_mem>> -> memref<!tpu.dma_semaphore, #tpu.memory_space<semaphore_mem>>
    %dma_wait3A_438 = arith.constant 0 : i32
    %dma_wait3A_439 = tpu.memref_slice %arg4[%multiple_of3A_429, %dma_wait3A_438] : memref<320000x128xf32, #tpu.memory_space<hbm>> -> memref<40x128xf32, #tpu.memory_space<hbm>>
    %dma_wait3A_440 = arith.constant 40 : i32
    %dma_wait3A_441 = arith.constant 0 : i32
    %dma_wait3A_442 = tpu.memref_slice %arg8[%dma_wait3A_440, %dma_wait3A_441] : memref<400x128xf32, #tpu.memory_space<vmem>> -> memref<40x128xf32, #tpu.memory_space<vmem>>
    tpu.wait_dma2 semaphore(%dma_wait3A_437 : memref<!tpu.dma_semaphore, #tpu.memory_space<semaphore_mem>>) src(%dma_wait3A_442 : memref<40x128xf32, #tpu.memory_space<vmem>>) dst(%dma_wait3A_439 : memref<40x128xf32, #tpu.memory_space<hbm>>)
    %add3A_443 = arith.constant 9680 : i32
    %add3A_444 = arith.addi %mul3A_2, %add3A_443 : i32
    %multiple_of3A_445 = tpu.assume_multiple %add3A_444, 8 : i32
    %dma_wait3A_446 = arith.constant 2 : i32
    %dma_wait3A_447 = arith.constant 80 : i32
    %dma_wait3A_448 = arith.constant 0 : i32
    %dma_wait3A_449 = tpu.memref_slice %arg8[%dma_wait3A_447, %dma_wait3A_448] : memref<400x128xf32, #tpu.memory_space<vmem>> -> memref<40x128xf32, #tpu.memory_space<vmem>>
    %dma_wait3A_450 = arith.constant 0 : i32
    %dma_wait3A_451 = tpu.memref_slice %arg4[%multiple_of3A_445, %dma_wait3A_450] : memref<320000x128xf32, #tpu.memory_space<hbm>> -> memref<40x128xf32, #tpu.memory_space<hbm>>
    %dma_wait3A_452 = tpu.memref_slice %arg11[%dma_wait3A_446] : memref<10x!tpu.dma_semaphore, #tpu.memory_space<semaphore_mem>> -> memref<1x!tpu.dma_semaphore, #tpu.memory_space<semaphore_mem>>
    %dma_wait3A_453 = tpu.memref_squeeze %dma_wait3A_452 : memref<1x!tpu.dma_semaphore, #tpu.memory_space<semaphore_mem>> -> memref<!tpu.dma_semaphore, #tpu.memory_space<semaphore_mem>>
    %dma_wait3A_454 = arith.constant 0 : i32
    %dma_wait3A_455 = tpu.memref_slice %arg4[%multiple_of3A_445, %dma_wait3A_454] : memref<320000x128xf32, #tpu.memory_space<hbm>> -> memref<40x128xf32, #tpu.memory_space<hbm>>
    %dma_wait3A_456 = arith.constant 80 : i32
    %dma_wait3A_457 = arith.constant 0 : i32
    %dma_wait3A_458 = tpu.memref_slice %arg8[%dma_wait3A_456, %dma_wait3A_457] : memref<400x128xf32, #tpu.memory_space<vmem>> -> memref<40x128xf32, #tpu.memory_space<vmem>>
    tpu.wait_dma2 semaphore(%dma_wait3A_453 : memref<!tpu.dma_semaphore, #tpu.memory_space<semaphore_mem>>) src(%dma_wait3A_458 : memref<40x128xf32, #tpu.memory_space<vmem>>) dst(%dma_wait3A_455 : memref<40x128xf32, #tpu.memory_space<hbm>>)
    %add3A_459 = arith.constant 9720 : i32
    %add3A_460 = arith.addi %mul3A_2, %add3A_459 : i32
    %multiple_of3A_461 = tpu.assume_multiple %add3A_460, 8 : i32
    %dma_wait3A_462 = arith.constant 3 : i32
    %dma_wait3A_463 = arith.constant 120 : i32
    %dma_wait3A_464 = arith.constant 0 : i32
    %dma_wait3A_465 = tpu.memref_slice %arg8[%dma_wait3A_463, %dma_wait3A_464] : memref<400x128xf32, #tpu.memory_space<vmem>> -> memref<40x128xf32, #tpu.memory_space<vmem>>
    %dma_wait3A_466 = arith.constant 0 : i32
    %dma_wait3A_467 = tpu.memref_slice %arg4[%multiple_of3A_461, %dma_wait3A_466] : memref<320000x128xf32, #tpu.memory_space<hbm>> -> memref<40x128xf32, #tpu.memory_space<hbm>>
    %dma_wait3A_468 = tpu.memref_slice %arg11[%dma_wait3A_462] : memref<10x!tpu.dma_semaphore, #tpu.memory_space<semaphore_mem>> -> memref<1x!tpu.dma_semaphore, #tpu.memory_space<semaphore_mem>>
    %dma_wait3A_469 = tpu.memref_squeeze %dma_wait3A_468 : memref<1x!tpu.dma_semaphore, #tpu.memory_space<semaphore_mem>> -> memref<!tpu.dma_semaphore, #tpu.memory_space<semaphore_mem>>
    %dma_wait3A_470 = arith.constant 0 : i32
    %dma_wait3A_471 = tpu.memref_slice %arg4[%multiple_of3A_461, %dma_wait3A_470] : memref<320000x128xf32, #tpu.memory_space<hbm>> -> memref<40x128xf32, #tpu.memory_space<hbm>>
    %dma_wait3A_472 = arith.constant 120 : i32
    %dma_wait3A_473 = arith.constant 0 : i32
    %dma_wait3A_474 = tpu.memref_slice %arg8[%dma_wait3A_472, %dma_wait3A_473] : memref<400x128xf32, #tpu.memory_space<vmem>> -> memref<40x128xf32, #tpu.memory_space<vmem>>
    tpu.wait_dma2 semaphore(%dma_wait3A_469 : memref<!tpu.dma_semaphore, #tpu.memory_space<semaphore_mem>>) src(%dma_wait3A_474 : memref<40x128xf32, #tpu.memory_space<vmem>>) dst(%dma_wait3A_471 : memref<40x128xf32, #tpu.memory_space<hbm>>)
    %add3A_475 = arith.constant 9760 : i32
    %add3A_476 = arith.addi %mul3A_2, %add3A_475 : i32
    %multiple_of3A_477 = tpu.assume_multiple %add3A_476, 8 : i32
    %dma_wait3A_478 = arith.constant 4 : i32
    %dma_wait3A_479 = arith.constant 160 : i32
    %dma_wait3A_480 = arith.constant 0 : i32
    %dma_wait3A_481 = tpu.memref_slice %arg8[%dma_wait3A_479, %dma_wait3A_480] : memref<400x128xf32, #tpu.memory_space<vmem>> -> memref<40x128xf32, #tpu.memory_space<vmem>>
    %dma_wait3A_482 = arith.constant 0 : i32
    %dma_wait3A_483 = tpu.memref_slice %arg4[%multiple_of3A_477, %dma_wait3A_482] : memref<320000x128xf32, #tpu.memory_space<hbm>> -> memref<40x128xf32, #tpu.memory_space<hbm>>
    %dma_wait3A_484 = tpu.memref_slice %arg11[%dma_wait3A_478] : memref<10x!tpu.dma_semaphore, #tpu.memory_space<semaphore_mem>> -> memref<1x!tpu.dma_semaphore, #tpu.memory_space<semaphore_mem>>
    %dma_wait3A_485 = tpu.memref_squeeze %dma_wait3A_484 : memref<1x!tpu.dma_semaphore, #tpu.memory_space<semaphore_mem>> -> memref<!tpu.dma_semaphore, #tpu.memory_space<semaphore_mem>>
    %dma_wait3A_486 = arith.constant 0 : i32
    %dma_wait3A_487 = tpu.memref_slice %arg4[%multiple_of3A_477, %dma_wait3A_486] : memref<320000x128xf32, #tpu.memory_space<hbm>> -> memref<40x128xf32, #tpu.memory_space<hbm>>
    %dma_wait3A_488 = arith.constant 160 : i32
    %dma_wait3A_489 = arith.constant 0 : i32
    %dma_wait3A_490 = tpu.memref_slice %arg8[%dma_wait3A_488, %dma_wait3A_489] : memref<400x128xf32, #tpu.memory_space<vmem>> -> memref<40x128xf32, #tpu.memory_space<vmem>>
    tpu.wait_dma2 semaphore(%dma_wait3A_485 : memref<!tpu.dma_semaphore, #tpu.memory_space<semaphore_mem>>) src(%dma_wait3A_490 : memref<40x128xf32, #tpu.memory_space<vmem>>) dst(%dma_wait3A_487 : memref<40x128xf32, #tpu.memory_space<hbm>>)
    %add3A_491 = arith.constant 9800 : i32
    %add3A_492 = arith.addi %mul3A_2, %add3A_491 : i32
    %multiple_of3A_493 = tpu.assume_multiple %add3A_492, 8 : i32
    %dma_wait3A_494 = arith.constant 5 : i32
    %dma_wait3A_495 = arith.constant 200 : i32
    %dma_wait3A_496 = arith.constant 0 : i32
    %dma_wait3A_497 = tpu.memref_slice %arg8[%dma_wait3A_495, %dma_wait3A_496] : memref<400x128xf32, #tpu.memory_space<vmem>> -> memref<40x128xf32, #tpu.memory_space<vmem>>
    %dma_wait3A_498 = arith.constant 0 : i32
    %dma_wait3A_499 = tpu.memref_slice %arg4[%multiple_of3A_493, %dma_wait3A_498] : memref<320000x128xf32, #tpu.memory_space<hbm>> -> memref<40x128xf32, #tpu.memory_space<hbm>>
    %dma_wait3A_500 = tpu.memref_slice %arg11[%dma_wait3A_494] : memref<10x!tpu.dma_semaphore, #tpu.memory_space<semaphore_mem>> -> memref<1x!tpu.dma_semaphore, #tpu.memory_space<semaphore_mem>>
    %dma_wait3A_501 = tpu.memref_squeeze %dma_wait3A_500 : memref<1x!tpu.dma_semaphore, #tpu.memory_space<semaphore_mem>> -> memref<!tpu.dma_semaphore, #tpu.memory_space<semaphore_mem>>
    %dma_wait3A_502 = arith.constant 0 : i32
    %dma_wait3A_503 = tpu.memref_slice %arg4[%multiple_of3A_493, %dma_wait3A_502] : memref<320000x128xf32, #tpu.memory_space<hbm>> -> memref<40x128xf32, #tpu.memory_space<hbm>>
    %dma_wait3A_504 = arith.constant 200 : i32
    %dma_wait3A_505 = arith.constant 0 : i32
    %dma_wait3A_506 = tpu.memref_slice %arg8[%dma_wait3A_504, %dma_wait3A_505] : memref<400x128xf32, #tpu.memory_space<vmem>> -> memref<40x128xf32, #tpu.memory_space<vmem>>
    tpu.wait_dma2 semaphore(%dma_wait3A_501 : memref<!tpu.dma_semaphore, #tpu.memory_space<semaphore_mem>>) src(%dma_wait3A_506 : memref<40x128xf32, #tpu.memory_space<vmem>>) dst(%dma_wait3A_503 : memref<40x128xf32, #tpu.memory_space<hbm>>)
    %add3A_507 = arith.constant 9840 : i32
    %add3A_508 = arith.addi %mul3A_2, %add3A_507 : i32
    %multiple_of3A_509 = tpu.assume_multiple %add3A_508, 8 : i32
    %dma_wait3A_510 = arith.constant 6 : i32
    %dma_wait3A_511 = arith.constant 240 : i32
    %dma_wait3A_512 = arith.constant 0 : i32
    %dma_wait3A_513 = tpu.memref_slice %arg8[%dma_wait3A_511, %dma_wait3A_512] : memref<400x128xf32, #tpu.memory_space<vmem>> -> memref<40x128xf32, #tpu.memory_space<vmem>>
    %dma_wait3A_514 = arith.constant 0 : i32
    %dma_wait3A_515 = tpu.memref_slice %arg4[%multiple_of3A_509, %dma_wait3A_514] : memref<320000x128xf32, #tpu.memory_space<hbm>> -> memref<40x128xf32, #tpu.memory_space<hbm>>
    %dma_wait3A_516 = tpu.memref_slice %arg11[%dma_wait3A_510] : memref<10x!tpu.dma_semaphore, #tpu.memory_space<semaphore_mem>> -> memref<1x!tpu.dma_semaphore, #tpu.memory_space<semaphore_mem>>
    %dma_wait3A_517 = tpu.memref_squeeze %dma_wait3A_516 : memref<1x!tpu.dma_semaphore, #tpu.memory_space<semaphore_mem>> -> memref<!tpu.dma_semaphore, #tpu.memory_space<semaphore_mem>>
    %dma_wait3A_518 = arith.constant 0 : i32
    %dma_wait3A_519 = tpu.memref_slice %arg4[%multiple_of3A_509, %dma_wait3A_518] : memref<320000x128xf32, #tpu.memory_space<hbm>> -> memref<40x128xf32, #tpu.memory_space<hbm>>
    %dma_wait3A_520 = arith.constant 240 : i32
    %dma_wait3A_521 = arith.constant 0 : i32
    %dma_wait3A_522 = tpu.memref_slice %arg8[%dma_wait3A_520, %dma_wait3A_521] : memref<400x128xf32, #tpu.memory_space<vmem>> -> memref<40x128xf32, #tpu.memory_space<vmem>>
    tpu.wait_dma2 semaphore(%dma_wait3A_517 : memref<!tpu.dma_semaphore, #tpu.memory_space<semaphore_mem>>) src(%dma_wait3A_522 : memref<40x128xf32, #tpu.memory_space<vmem>>) dst(%dma_wait3A_519 : memref<40x128xf32, #tpu.memory_space<hbm>>)
    %add3A_523 = arith.constant 9880 : i32
    %add3A_524 = arith.addi %mul3A_2, %add3A_523 : i32
    %multiple_of3A_525 = tpu.assume_multiple %add3A_524, 8 : i32
    %dma_wait3A_526 = arith.constant 7 : i32
    %dma_wait3A_527 = arith.constant 280 : i32
    %dma_wait3A_528 = arith.constant 0 : i32
    %dma_wait3A_529 = tpu.memref_slice %arg8[%dma_wait3A_527, %dma_wait3A_528] : memref<400x128xf32, #tpu.memory_space<vmem>> -> memref<40x128xf32, #tpu.memory_space<vmem>>
    %dma_wait3A_530 = arith.constant 0 : i32
    %dma_wait3A_531 = tpu.memref_slice %arg4[%multiple_of3A_525, %dma_wait3A_530] : memref<320000x128xf32, #tpu.memory_space<hbm>> -> memref<40x128xf32, #tpu.memory_space<hbm>>
    %dma_wait3A_532 = tpu.memref_slice %arg11[%dma_wait3A_526] : memref<10x!tpu.dma_semaphore, #tpu.memory_space<semaphore_mem>> -> memref<1x!tpu.dma_semaphore, #tpu.memory_space<semaphore_mem>>
    %dma_wait3A_533 = tpu.memref_squeeze %dma_wait3A_532 : memref<1x!tpu.dma_semaphore, #tpu.memory_space<semaphore_mem>> -> memref<!tpu.dma_semaphore, #tpu.memory_space<semaphore_mem>>
    %dma_wait3A_534 = arith.constant 0 : i32
    %dma_wait3A_535 = tpu.memref_slice %arg4[%multiple_of3A_525, %dma_wait3A_534] : memref<320000x128xf32, #tpu.memory_space<hbm>> -> memref<40x128xf32, #tpu.memory_space<hbm>>
    %dma_wait3A_536 = arith.constant 280 : i32
    %dma_wait3A_537 = arith.constant 0 : i32
    %dma_wait3A_538 = tpu.memref_slice %arg8[%dma_wait3A_536, %dma_wait3A_537] : memref<400x128xf32, #tpu.memory_space<vmem>> -> memref<40x128xf32, #tpu.memory_space<vmem>>
    tpu.wait_dma2 semaphore(%dma_wait3A_533 : memref<!tpu.dma_semaphore, #tpu.memory_space<semaphore_mem>>) src(%dma_wait3A_538 : memref<40x128xf32, #tpu.memory_space<vmem>>) dst(%dma_wait3A_535 : memref<40x128xf32, #tpu.memory_space<hbm>>)
    %add3A_539 = arith.constant 9920 : i32
    %add3A_540 = arith.addi %mul3A_2, %add3A_539 : i32
    %multiple_of3A_541 = tpu.assume_multiple %add3A_540, 8 : i32
    %dma_wait3A_542 = arith.constant 8 : i32
    %dma_wait3A_543 = arith.constant 320 : i32
    %dma_wait3A_544 = arith.constant 0 : i32
    %dma_wait3A_545 = tpu.memref_slice %arg8[%dma_wait3A_543, %dma_wait3A_544] : memref<400x128xf32, #tpu.memory_space<vmem>> -> memref<40x128xf32, #tpu.memory_space<vmem>>
    %dma_wait3A_546 = arith.constant 0 : i32
    %dma_wait3A_547 = tpu.memref_slice %arg4[%multiple_of3A_541, %dma_wait3A_546] : memref<320000x128xf32, #tpu.memory_space<hbm>> -> memref<40x128xf32, #tpu.memory_space<hbm>>
    %dma_wait3A_548 = tpu.memref_slice %arg11[%dma_wait3A_542] : memref<10x!tpu.dma_semaphore, #tpu.memory_space<semaphore_mem>> -> memref<1x!tpu.dma_semaphore, #tpu.memory_space<semaphore_mem>>
    %dma_wait3A_549 = tpu.memref_squeeze %dma_wait3A_548 : memref<1x!tpu.dma_semaphore, #tpu.memory_space<semaphore_mem>> -> memref<!tpu.dma_semaphore, #tpu.memory_space<semaphore_mem>>
    %dma_wait3A_550 = arith.constant 0 : i32
    %dma_wait3A_551 = tpu.memref_slice %arg4[%multiple_of3A_541, %dma_wait3A_550] : memref<320000x128xf32, #tpu.memory_space<hbm>> -> memref<40x128xf32, #tpu.memory_space<hbm>>
    %dma_wait3A_552 = arith.constant 320 : i32
    %dma_wait3A_553 = arith.constant 0 : i32
    %dma_wait3A_554 = tpu.memref_slice %arg8[%dma_wait3A_552, %dma_wait3A_553] : memref<400x128xf32, #tpu.memory_space<vmem>> -> memref<40x128xf32, #tpu.memory_space<vmem>>
    tpu.wait_dma2 semaphore(%dma_wait3A_549 : memref<!tpu.dma_semaphore, #tpu.memory_space<semaphore_mem>>) src(%dma_wait3A_554 : memref<40x128xf32, #tpu.memory_space<vmem>>) dst(%dma_wait3A_551 : memref<40x128xf32, #tpu.memory_space<hbm>>)
    %add3A_555 = arith.constant 9960 : i32
    %add3A_556 = arith.addi %mul3A_2, %add3A_555 : i32
    %multiple_of3A_557 = tpu.assume_multiple %add3A_556, 8 : i32
    %dma_wait3A_558 = arith.constant 9 : i32
    %dma_wait3A_559 = arith.constant 360 : i32
    %dma_wait3A_560 = arith.constant 0 : i32
    %dma_wait3A_561 = tpu.memref_slice %arg8[%dma_wait3A_559, %dma_wait3A_560] : memref<400x128xf32, #tpu.memory_space<vmem>> -> memref<40x128xf32, #tpu.memory_space<vmem>>
    %dma_wait3A_562 = arith.constant 0 : i32
    %dma_wait3A_563 = tpu.memref_slice %arg4[%multiple_of3A_557, %dma_wait3A_562] : memref<320000x128xf32, #tpu.memory_space<hbm>> -> memref<40x128xf32, #tpu.memory_space<hbm>>
    %dma_wait3A_564 = tpu.memref_slice %arg11[%dma_wait3A_558] : memref<10x!tpu.dma_semaphore, #tpu.memory_space<semaphore_mem>> -> memref<1x!tpu.dma_semaphore, #tpu.memory_space<semaphore_mem>>
    %dma_wait3A_565 = tpu.memref_squeeze %dma_wait3A_564 : memref<1x!tpu.dma_semaphore, #tpu.memory_space<semaphore_mem>> -> memref<!tpu.dma_semaphore, #tpu.memory_space<semaphore_mem>>
    %dma_wait3A_566 = arith.constant 0 : i32
    %dma_wait3A_567 = tpu.memref_slice %arg4[%multiple_of3A_557, %dma_wait3A_566] : memref<320000x128xf32, #tpu.memory_space<hbm>> -> memref<40x128xf32, #tpu.memory_space<hbm>>
    %dma_wait3A_568 = arith.constant 360 : i32
    %dma_wait3A_569 = arith.constant 0 : i32
    %dma_wait3A_570 = tpu.memref_slice %arg8[%dma_wait3A_568, %dma_wait3A_569] : memref<400x128xf32, #tpu.memory_space<vmem>> -> memref<40x128xf32, #tpu.memory_space<vmem>>
    tpu.wait_dma2 semaphore(%dma_wait3A_565 : memref<!tpu.dma_semaphore, #tpu.memory_space<semaphore_mem>>) src(%dma_wait3A_570 : memref<40x128xf32, #tpu.memory_space<vmem>>) dst(%dma_wait3A_567 : memref<40x128xf32, #tpu.memory_space<hbm>>)
    return
  }
}

module attributes {stable_mosaic.version = 14 : i64} {
  func.func @_prep_body(%arg0: memref<8x128xf32, #tpu.memory_space<vmem>>, %arg1: memref<8x128xf32, #tpu.memory_space<vmem>>, %arg2: memref<8x128xf32, #tpu.memory_space<vmem>>, %arg3: memref<8x128xf32, #tpu.memory_space<vmem>>) attributes {dimension_semantics = [], scalar_prefetch = 0 : i64, scratch_operands = 0 : i64, tpu.core_type = #tpu.core_type<tc>} {
    %get3A = arith.constant 0 : index
    %get3A_0 = arith.constant 0 : index
    %get3A_1 = vector.load %arg0[%get3A, %get3A_0] : memref<8x128xf32, #tpu.memory_space<vmem>>, vector<8x128xf32>
    %mul3A = arith.constant 11.3137083 : f32
    %mul3A_2 = vector.broadcast %mul3A : f32 to vector<8x128xf32>
    %mul3A_3 = arith.mulf %get3A_1, %mul3A_2 : vector<8x128xf32>
    %reduce_sum3A = arith.constant dense<0.000000e+00> : vector<8xf32>
    %reduce_sum3A_4 = vector.multi_reduction <add>, %mul3A_3, %reduce_sum3A [1] : vector<8x128xf32> to vector<8xf32>
    %broadcast_in_dim3A = vector.shape_cast %reduce_sum3A_4 : vector<8xf32> to vector<8x1xf32>
    %div3A = arith.constant 1.280000e+02 : f32
    %div3A_5 = vector.broadcast %div3A : f32 to vector<8x1xf32>
    %div3A_6 = arith.divf %broadcast_in_dim3A, %div3A_5 : vector<8x1xf32>
    %sub3A = vector.broadcast %div3A_6 : vector<8x1xf32> to vector<8x128xf32>
    %sub3A_7 = arith.subf %mul3A_3, %sub3A : vector<8x128xf32>
    %mul3A_8 = arith.mulf %sub3A_7, %sub3A_7 : vector<8x128xf32>
    %reduce_sum3A_9 = arith.constant dense<0.000000e+00> : vector<8xf32>
    %reduce_sum3A_10 = vector.multi_reduction <add>, %mul3A_8, %reduce_sum3A_9 [1] : vector<8x128xf32> to vector<8xf32>
    %broadcast_in_dim3A_11 = vector.shape_cast %reduce_sum3A_10 : vector<8xf32> to vector<8x1xf32>
    %div3A_12 = arith.constant 1.280000e+02 : f32
    %div3A_13 = vector.broadcast %div3A_12 : f32 to vector<8x1xf32>
    %div3A_14 = arith.divf %broadcast_in_dim3A_11, %div3A_13 : vector<8x1xf32>
    %add3A = arith.constant 9.99999974E-6 : f32
    %add3A_15 = vector.broadcast %add3A : f32 to vector<8x1xf32>
    %add3A_16 = arith.addf %div3A_14, %add3A_15 : vector<8x1xf32>
    %rsqrt3A = math.rsqrt %add3A_16 : vector<8x1xf32>
    %mul3A_17 = vector.broadcast %rsqrt3A : vector<8x1xf32> to vector<8x128xf32>
    %mul3A_18 = arith.mulf %sub3A_7, %mul3A_17 : vector<8x128xf32>
    %get3A_19 = arith.constant 0 : index
    %get3A_20 = arith.constant 0 : index
    %get3A_21 = vector.load %arg1[%get3A_19, %get3A_20] : memref<8x128xf32, #tpu.memory_space<vmem>>, vector<8x128xf32>
    %mul3A_22 = arith.mulf %mul3A_18, %get3A_21 : vector<8x128xf32>
    %get3A_23 = arith.constant 0 : index
    %get3A_24 = arith.constant 0 : index
    %get3A_25 = vector.load %arg2[%get3A_23, %get3A_24] : memref<8x128xf32, #tpu.memory_space<vmem>>, vector<8x128xf32>
    %add3A_26 = arith.addf %mul3A_22, %get3A_25 : vector<8x128xf32>
    %swap3A = arith.constant 0 : index
    %swap3A_27 = arith.constant 0 : index
    %swap3A_28 = vector.load %arg3[%swap3A, %swap3A_27] : memref<8x128xf32, #tpu.memory_space<vmem>>, vector<8x128xf32>
    tpu.vector_store %arg3[%swap3A, %swap3A_27], %add3A_26 {strides = array<i32>} : memref<8x128xf32, #tpu.memory_space<vmem>>, vector<8x128xf32>,
    return
  }
}

</mosaic_0001>

<sc_bundles>
// kernel: kernel.4.cloned.1.call-start
scs
__scs_entry_jumppad:
0x0: {  	(pc) =	sbr.rel $0x88, $3  }
0x1: {  	(tag) =	ssettag $0x0;
	lr =	simm.s32 $0x1  }
0x2: {  	[smem:$0x3F9D] =	sst lr;
	_ =	strace $0xD0000000  }
0x3: {  	_ = 	snop  }
0x4: {  	_ = 	snop  }
0x5: {  	_ = 	snop  }
0x6: {  	_ = 	snop  }
0x7: {  	_ = 	snop  }
__scs_overlays_trampoline_lowered:
0x8: {  	[smem:$0x3FAC] =	sst s0  }
0x9: {  	[smem:$0x3FAD] =	sst s1  }
0xa: {  	[smem:$0x3FAE] =	sst s2  }
0xb: {  	[smem:$0x3FAF] =	sst s3  }
0xc: {  	[smem:$0x3FB0] =	sst s4  }
0xd: {  	[smem:$0x3FB1] =	sst s5  }
0xe: {  	[smem:$0x3FB2] =	sst s6  }
0xf: {  	[smem:$0x3FB3] =	sst s7  }
0x10: {  	[smem:$0x3FB4] =	sst s8  }
0x11: {  	[smem:$0x3FB5] =	sst s9;
	s0 =	simm.s32 @!p0 $0x0  }
0x12: {  	s1 =	sld [smem:$0x3F9B];
	s0 =	simm.s32 @p0 $0x1  }
0x13: {  	[smem:$0x3FB6] =	sst s0;
	s0 =	simm.s32 @!p1 $0x0  }
0x14: {  	s2 =	sld [smem:$0x3F9A];
	s0 =	simm.s32 @p1 $0x1  }
0x15: {  	[smem:$0x3FB7] =	sst s0;
	s0 =	simm.s32 @!p2 $0x0  }
0x16: {  	s3 =	sld [smem:$0x3FDB];
	s0 =	simm.s32 @p2 $0x1  }
0x17: {  	s4 =	simm.s32 $0x1BF5;
	[smem:$0x3FB9] =	sst s0  }
0x18: {  	s0 =	sld [smem:$0x3F9C];
	_ =	swait.ge [sflag:s4], $0x0  }
0x19: {  	s7 =	sld [smem:$0x3F9D]  }
0x1a: {  	s8 =	sadd.s32 $0xFFFFE003, lr  }
0x1b: {  	s9 =	sadd.s32 $0xFFFFFEF7, lr;
	s5 =	simm.s32 $0xFFFFFFFF;
	p2 =	slt.u32 s8, $0xFFFFF086  }
0x1c: {  	p1 =	slt.u32 s9, $0xF7A;
	s5 =	simm.s32 @!p2 $0x0  }
0x1d: {  	s5 =	simm.s32 @p1 $0x1;
	p0 =	seq.s32 s7, s2  }
0x1e: {  	s7 =	smul.u32 @!p0 $0xF7A, s2;
	p2 =	seq.s32 @!p0 s5, $0x0  }
0x1f: {  	s9 =	smul.u32 $0xF7A, s1;
	s8 =	simm.s32 @!p0 $0x1BF5;
	p2 =	por !p2, p0  }
0x20: {  	[sflag:s8] =	ssyncset.s32 @!p0 $0xFFFFF086;
	s6 =	sadd.s32 @!p0 s3, s7;
	s7 =	simm.s32 @!p0 $0x108  }
0x21: {  	s3 =	sadd.s32 s3, s9;
	s6 =	sadd.s32 @!p0 $0x88, s6;
	s7 =	simm.s32 @p2 $0x1082  }
0x22: {  	[simem:s7], [sflag:s8] =	dma.local @!p0 [hbm:s6], $0xF7A  }
0x23: {  	s9 =	sor.u32 $0xD0000000, s2;
	s6 =	simm.s32 $0x108;
	_ =	swait.ge @!p0 [sflag:s8], $0x0  }
0x24: {  	s3 =	sadd.s32 $0x88, s3;
	s6 =	simm.s32 @!p1 $0x1082;
	[sflag:s4] =	ssyncset.s32 $0xFFFFF086  }
0x25: {  	[simem:s6], [sflag:s4] =	dma.local [hbm:s3], $0xF7A  }
0x26: {  	[smem:$0x3F9D] =	sst s1;
	(tag) =	ssettag s2;
	_ =	strace s9  }
0x27: {  	s1 =	sld [smem:$0x3FAD]  }
0x28: {  	s2 =	sld [smem:$0x3FAE]  }
0x29: {  	s4 =	sld [smem:$0x3FB0]  }
0x2a: {  	p0 =	seq.s32 s5, $0x0;
	s5 =	sld [smem:$0x3FB1]  }
0x2b: {  	s6 =	sld [smem:$0x3FB2]  }
0x2c: {  	s7 =	sld [smem:$0x3FB3]  }
0x2d: {  	s3 =	simm.s32 $0x108;
	s8 =	sld [smem:$0x3FB4]  }
0x2e: {  	s3 =	simm.s32 @!p0 $0x1082;
	s9 =	sld [smem:$0x3FB5]  }
0x2f: {  	lr =	sadd.s32 s0, s3;
	s0 =	sld [smem:$0x3FAC]  }
0x30: {  	s3 =	sld [smem:$0x3FAF]  }
0x31: {  	[smem:$0x3FB8] =	sst s10  }
0x32: {  	s10 =	sld [smem:$0x3FB6];
	_ =	sdelay $0x3  }
0x33: {  	p0 =	seq.s32 s10, $0x1;
	s10 =	sld [smem:$0x3FB8];
	_ =	sdelay $0x3  }
0x34: {  	[smem:$0x3FB8] =	sst s10  }
0x35: {  	s10 =	sld [smem:$0x3FB7];
	_ =	sdelay $0x3  }
0x36: {  	p1 =	seq.s32 s10, $0x1;
	s10 =	sld [smem:$0x3FB8];
	_ =	sdelay $0x3  }
0x37: {  	[smem:$0x3FB8] =	sst s10  }
0x38: {  	s10 =	sld [smem:$0x3FB9]  }
0x39: {  	_ = 	snop;
	(pc) =	sbr.ind lr, $3  }
0x3a: {  	_ = 	snop  }
0x3b: {  	_ = 	snop  }
0x3c: {  	p2 =	seq.s32 s10, $0x1;
	s10 =	sld [smem:$0x3FB8]  }
0x3d: {  	_ =	shalt  }
0x3e: {  	_ =	shalt  }
0x3f: {  	_ =	shalt  }
0x40: {  	_ =	shalt  }
0x41: {  	_ =	shalt  }
0x42: {  	_ =	shalt  }
0x43: {  	_ =	shalt  }
0x44: {  	_ =	shalt  }
0x45: {  	_ =	shalt  }
0x46: {  	_ =	shalt  }
0x47: {  	_ =	shalt  }
0x48: {  	_ =	shalt  }
0x49: {  	_ =	shalt  }
0x4a: {  	_ =	shalt  }
0x4b: {  	_ =	shalt  }
0x4c: {  	_ =	shalt  }
0x4d: {  	_ =	shalt  }
0x4e: {  	_ =	shalt  }
0x4f: {  	_ =	shalt  }
0x50: {  	_ =	shalt  }
0x51: {  	_ =	shalt  }
0x52: {  	_ =	shalt  }
0x53: {  	_ =	shalt  }
0x54: {  	_ =	shalt  }
0x55: {  	_ =	shalt  }
0x56: {  	_ =	shalt  }
0x57: {  	_ =	shalt  }
0x58: {  	_ =	shalt  }
0x59: {  	_ =	shalt  }
0x5a: {  	_ =	shalt  }
0x5b: {  	_ =	shalt  }
0x5c: {  	_ =	shalt  }
0x5d: {  	_ =	shalt  }
0x5e: {  	_ =	shalt  }
0x5f: {  	_ =	shalt  }
0x60: {  	_ =	shalt  }
0x61: {  	_ =	shalt  }
0x62: {  	_ =	shalt  }
0x63: {  	_ =	shalt  }
0x64: {  	_ =	shalt  }
0x65: {  	_ =	shalt  }
0x66: {  	_ =	shalt  }
0x67: {  	_ =	shalt  }
0x68: {  	_ =	shalt  }
0x69: {  	_ =	shalt  }
0x6a: {  	_ =	shalt  }
0x6b: {  	_ =	shalt  }
0x6c: {  	_ =	shalt  }
0x6d: {  	_ =	shalt  }
0x6e: {  	_ =	shalt  }
0x6f: {  	_ =	shalt  }
0x70: {  	_ =	shalt  }
0x71: {  	_ =	shalt  }
0x72: {  	_ =	shalt  }
0x73: {  	_ =	shalt  }
0x74: {  	_ =	shalt  }
0x75: {  	_ =	shalt  }
0x76: {  	_ =	shalt  }
0x77: {  	_ =	shalt  }
0x78: {  	_ =	shalt  }
0x79: {  	_ =	shalt  }
0x7a: {  	_ =	shalt  }
0x7b: {  	_ =	shalt  }
0x7c: {  	_ =	shalt  }
0x7d: {  	_ =	shalt  }
0x7e: {  	_ =	shalt  }
0x7f: {  	_ =	shalt  }
0x80: {  	_ =	shalt  }
0x81: {  	_ =	shalt  }
0x82: {  	_ =	shalt  }
0x83: {  	_ =	shalt  }
0x84: {  	_ =	shalt  }
0x85: {  	_ =	shalt  }
0x86: {  	_ =	shalt  }
0x87: {  	_ =	shalt  }
.Lfunc_end0:
.L_simem_size_0:
called_computation_lowered:
.L_overlay_start_0:
0x88: {  	s2 =	sld [smem:$0x3FD9]  }
0x89: {  	s3 =	sld [smem:$0x3FFE];
	_ =	sdelay $0x1  }
0x8a: {  	s1 =	srdreg.scid  }
0x8b: {  	s0 =	sand.u32 $0x1, s1  }
0x8c: {  	s17 =	sshll.u32 s0, $0xA;
	s2 =	sadd.s32 s3, s2  }
0x8d: {  	s2 =	sadd.s32 s2, s17  }
0x8e: {  	[smem:$0x3FC4] =	sst s2  }
0x8f: {  	_ = 	snop  }
0x90: {  	s2 =	sld [smem:$0x3FC9]  }
0x91: {  	s18 =	sld [smem:$0x3FD0];
	(tm) =	ssettm $0x1  }
0x92: {  	s4 =	sld [smem:$0x3FFB];
	_ =	sdelay $0x3  }
0x93: {  	_ =	strace s4  }
0x94: {  	s4 =	sld [smem:$0x3FFC];
	_ =	sdelay $0x3  }
0x95: {  	_ =	strace s4  }
0x96: {  	s4 =	sld [smem:$0x3FFD];
	_ =	sdelay $0x3  }
0x97: {  	_ =	strace s4  }
0x98: {  	_ =	strace $0x8FFFFFFF  }
0x99: {  	s19 =	sld [smem:$0x3FDB];
	_ =	sdelay $0x1  }
0x9a: {  	s5 =	simm.s32 $_scs_section_size  }
0x9b: {  	s6 =	simm.s32 $_size__tile_overlayer_lowered;
	s7 =	simm.s32 $_tile_overlayer_lowered  }
0x9c: {  	s22 =	simm.s32 $0x1BFF;
	s21 =	sshll.u32 s7, $0x1;
	s4 =	sadd.s32 s5, s19  }
0x9d: {  	s8 =	simm.s32 $0x0;
	s20 =	sshll.u32 s6, $0x1;
	s6 =	sadd.s32 s21, s4  }
0x9e: {  	[timem:s8], [sflag:s22] =	dma.local [hbm:s6], s20  }
0x9f: {  	_ =	swait.ge [sflag:s22], s20  }
0xa0: {  	s5 =	ssub.s32 $0x0, s20;
	[sflag:s22] =	ssyncset.done $0x0  }
0xa1: {  	[sflag:s22] =	ssyncadd.s32 s5;
	_ =	sdelay $0x1  }
0xa2: {  	s23 =	simm.s32 $0x1B8B  }
0xa3: {  	_ =	swait.ge [sflag:s23], $0x1  }
0xa4: {  	[sflag:s23] =	ssyncset.done $0x0  }
0xa5: {  	s25 =	simm.s32 $0x1B8E;
	s24 =	sld [smem:$0x3FFE];
	[sflag:s23] =	ssyncadd.s32 $0xFFFFFFFF  }
0xa6: {  	s26 =	simm.s32 $execute0_lowered;
	[smem:$0x3FD2] =	sst s25  }
0xa7: {  	s6 =	sshll.u32 s26, $0x1;
	_ =	strace $0x80000046;
	[dreg:$0x1] =	wrdreg $0xFFFFFFFF  }
0xa8: {  	s28 =	simm.s32 $_size_execute0_lowered;
	s4 =	sadd.s32 s4, s6;
	[dreg:$0x0] =	wrdreg $0x0  }
0xa9: {  	s6 =	sshll.u32 s28, $0x1;
	[dreg:$0x2] =	wrdreg s4  }
0xaa: {  	[dreg:$0x3] =	wrdreg s6  }
0xab: {  	[dreg:$0x4] =	wrdreg $0xC0  }
0xac: {  	_ =	task [dreg:s8], $0x5FFFF  }
0xad: {  	[dreg:$0x1] =	wrdreg $0xFFFFFFFF  }
0xae: {  	[dreg:$0x0] =	wrdreg $0x60  }
0xaf: {  	[dreg:$0x2] =	wrdreg s2  }
0xb0: {  	[dreg:$0x3] =	wrdreg s24  }
0xb1: {  	[dreg:$0x4] =	wrdreg s18  }
0xb2: {  	[dreg:$0x5] =	wrdreg $0x4000  }
0xb3: {  	[dreg:$0x6] =	wrdreg $0x9  }
0xb4: {  	_ =	task.clear_ibuf [dreg:s8], $0x7FFFF;
	_ =	strace $0x90000046  }
0xb5: {  	s29 =	simm.s32 $0x9;
	_ =	strace $0x80000048  }
0xb6: {  	_ =	swait.ge [sflag:s29], $0x1  }
0xb7: {  	[sflag:s29] =	ssyncadd.s32 $0xFFFFFFFF  }
0xb8: {  	_ =	strace $0x90000048  }
0xb9: {  	_ =	sfence  }
0xba: {  	s30 =	sld [smem:$0x0];
	_ =	sdelay $0x2  }
0xbb: {  	s31 =	sshll.u32 s1, $0xD;
	s1 =	sshrl.u32 s1, $0x2  }
0xbc: {  	s3 =	sand.u32 $0x4000, s31;
	s1 =	sadd.s32 s1, s30  }
0xbd: {  	s0 =	sor.u32 s3, s0;
	s1 =	sshll.u32 s1, $0x11  }
0xbe: {  	s0 =	sor.u32 s1, s0  }
0xbf: {  	s0 =	sadd.s32 $0x8F2B, s0  }
0xc0: {  	[sflag:s0] =	ssyncadd.remote.s32 $0x1  }
0xc1: {  	_ =	sfence.sel $0xFFFF  }
0xc2: {  	[dreg:$0x0] =	wrdreg $0xFFFFFFFF;
	(pc) =	sbr.abs _section_cstart, $3  }
0xc3: {  	[dreg:$0x1] =	wrdreg $0xFFFFFFFF  }
0xc4: {  	_ =	task.clear_ibuf [dreg:s8], $0x2FFFF;
	_ =	strace $0x9FFFFFFF  }
0xc5: {  	(tm) =	ssettm $0x7FFFFFFF  }
tec
execute0_lowered:
.L_overlay_start_1:
0x0: {  	(tag) =	ssettag $0x1  }
0x1: {  	s0 =	rddreg [dreg:$0x0]  }
0x2: {  	s3 =	rddreg [dreg:$0x1]  }
0x3: {  	s1 =	srdreg.scid;
	s4 =	stileid.u32  }
0x4: {  	s5 =	rddreg [dreg:$0x2];
	s30 =	simm.s32 $0x67C0;
	s29 =	simm.s32 $0xA3C0  }
0x5: {  	s11 =	simm.s32 $0x7;
	s12 =	simm.s32 $0x8;
	s13 =	simm.s32 $0xA  }
0x6: {  	s14 =	simm.s32 $0xB;
	s31 =	simm.s32 $0x67C0;
	s6 =	sand.u32 $0x1, s1  }
0x7: {  	s2 =	sshll.u32 s4, $0x1;
	s1 =	rddreg [dreg:$0x3];
	s21 =	smul.u32 $0x4E200, s4  }
0x8: {  	s7 =	sor.u32 s6, s2;
	s9 =	ssub.s32 $0x2, s6;
	s6 =	smul.u32 $0x27100, s6  }
0x9: {  	s3 =	sadd.s32 $0xC00, s3;
	p0 =	sne.s32 s4, $0x0;
	s8 =	smul.u32 $0x2710, s7  }
0xa: {  	s4 =	simm.s32 $0xCBC0;
	s2 =	simm.s32 $0x0;
	s10 =	smul.u32 $0x138800, s7  }
0xb: {  	[smem:$0x7FF] =	sst s2;
	s15 =	sshrl.u32 s9, $0x1;
	s7 =	smul.u32 $0x27100, s7  }
0xc: {  	_ =	strace $0x80000047;
	[dreg:$0x6] =	wrdreg s3;
	s3 =	ssub.s32 s9, s15  }
0xd: {  	s9 =	simm.s32 $0x5;
	s8 =	sshrl.u32 s8, $0x3;
	s7 =	sadd.s32 s5, s7  }
0xe: {  	s10 =	sshrl.u32 s10, $0x3;
	s26 =	smax.u32 s3, $0x1;
	[dreg:$0x8] =	wrdreg s7  }
0xf: {  	s0 =	sadd.s32 s0, s8;
	s16 =	sadd.s32 s5, s10;
	[dreg:$0x12] =	wrdreg s26  }
0x10: {  	s15 =	simm.s32 $0x12;
	[dreg:$0x7] =	wrdreg s0;
	s17 =	sadd.s32 $0x280, s16  }
0x11: {  	s3 =	simm.s32 $0xB7C0;
	s18 =	sadd.s32 $0x500, s16;
	[dreg:$0x9] =	wrdreg s17  }
0x12: {  	s5 =	sadd.s32 s21, s5;
	s19 =	sadd.s32 $0x780, s16;
	[dreg:$0xa] =	wrdreg s18  }
0x13: {  	s26 =	simm.s32 $0x53C0;
	s20 =	sadd.s32 $0xA00, s16;
	[dreg:$0xb] =	wrdreg s19  }
0x14: {  	s7 =	simm.s32 $0x3;
	s22 =	sadd.s32 $0xC80, s16;
	[dreg:$0xc] =	wrdreg s20  }
0x15: {  	s8 =	simm.s32 $0x4;
	s23 =	sadd.s32 $0xF00, s16;
	[dreg:$0xd] =	wrdreg s22  }
0x16: {  	s10 =	simm.s32 $0x6;
	s24 =	sadd.s32 $0x1180, s16;
	[dreg:$0xe] =	wrdreg s23  }
0x17: {  	s21 =	simm.s32 $0x15;
	s25 =	sadd.s32 $0x1400, s16;
	[dreg:$0xf] =	wrdreg s24  }
0x18: {  	s0 =	sadd.s32 $0x1680, s16;
	s28 =	sadd.s32 s6, s5;
	[dreg:$0x10] =	wrdreg s25  }
0x19: {  	s6 =	simm.s32 $0x2;
	s16 =	simm.s32 $0x9;
	[dreg:$0x11] =	wrdreg s0  }
0x1a: {  	s5 =	simm.s32 $0x0;
	[dreg:$0x5] =	wrdreg s28;
	s18 =	simm.s32 $0x28  }
0x1b: {  	s0 =	simm.s32 $0x2BC0;
	s22 =	simm.s32 $0x3FC0;
	s20 =	simm.s32 $0x7BC0  }
0x1c: {  	s24 =	simm.s32 $0x8FC0;
	s17 =	simm.s32 $0x13;
	s19 =	simm.s32 $0x14  }
.LBB2_1:
0x1d: {  	s23 =	rddreg [dreg:$0x7];
	s28 =	simm.s32 $0x440  }
0x1e: {  	[tilespmem:s28], [sflag:$0x1] =	stream.linear.gather [hbm4b:s23+s2], $0x2710, $0x38;
	[tilespmem:$0xF3C0] =	vst v63  }
0x1f: {  	s25 =	rddreg [dreg:$0x6];
	s23 =	simm.s32 @!p0 $0x0  }
0x20: {  	[tilespmem:s23], [sflag:$0x16] =	stream.linear.gather @!p0 [hbm4b:s25+s23], $0x400, $0x38;
	[tilespmem:$0xF3C0] =	vst v63  }
0x21: {  	[dreg:$0x13] =	wrdreg s5;
	s25 =	simm.s32 @!p0 $0x16  }
0x22: {  	_ =	swait.ge @!p0 [sflag:s25], $0x400  }
0x23: {  	[sflag:s25] =	ssyncset.done @!p0 $0x0  }
0x24: {  	[sflag:s25] =	ssyncadd.s32 @!p0 $0xFFFFFC00  }
0x25: {  	[spmem:s1] =	stream.linear.scatter @!p0 [tilespmem:s23], [sflag:$0x16], $0x400, $0x38;
	[tilespmem:$0xF3C0] =	vst v63  }
0x26: {  	_ =	swait.ge @!p0 [sflag:s25], $0x400  }
0x27: {  	[sflag:s25] =	ssyncset.done @!p0 $0x0  }
0x28: {  	[sflag:s25] =	ssyncadd.s32 @!p0 $0xFFFFFC00  }
0x29: {  	s5 =	simm.s32 $0x1;
	[bflag:$0x0] =	sbarrier.arrive $0xFFFF  }
0x2a: {  	_ =	swait.ge [sflag:s5], $0x2710  }
0x2b: {  	[sflag:s5] =	ssyncset.done $0x0  }
0x2c: {  	[sflag:s5] =	ssyncadd.s32 $0xFFFFD8F0  }
0x2d: {  	[tilespmem:s0], [sflag:$0x2] =	stream.indirect.gather [spmem:s1], $0x80, s28, s18, $0xb8;
	[tilespmem:$0xF3C0] =	vst v63  }
0x2e: {  	s25 =	simm.s32 $0x468  }
0x2f: {  	[tilespmem:s22], [sflag:$0x3] =	stream.indirect.gather [spmem:s1], $0x80, s25, s18, $0xb8;
	[tilespmem:$0xF3C0] =	vst v63  }
0x30: {  	s5 =	simm.s32 $0x490  }
0x31: {  	[tilespmem:s26], [sflag:$0x4] =	stream.indirect.gather [spmem:s1], $0x80, s5, s18, $0xb8;
	[tilespmem:$0xF3C0] =	vst v63  }
0x32: {  	s25 =	simm.s32 $0x4B8  }
0x33: {  	[tilespmem:s30], [sflag:$0x5] =	stream.indirect.gather [spmem:s1], $0x80, s25, s18, $0xb8;
	[tilespmem:$0xF3C0] =	vst v63  }
0x34: {  	s5 =	simm.s32 $0x4E0  }
0x35: {  	[tilespmem:s20], [sflag:$0x6] =	stream.indirect.gather [spmem:s1], $0x80, s5, s18, $0xb8;
	[tilespmem:$0xF3C0] =	vst v63  }
0x36: {  	s25 =	simm.s32 $0x508  }
0x37: {  	[tilespmem:s24], [sflag:$0x7] =	stream.indirect.gather [spmem:s1], $0x80, s25, s18, $0xb8;
	[tilespmem:$0xF3C0] =	vst v63  }
0x38: {  	s5 =	simm.s32 $0x530  }
0x39: {  	[tilespmem:s29], [sflag:$0x8] =	stream.indirect.gather [spmem:s1], $0x80, s5, s18, $0xb8;
	[tilespmem:$0xF3C0] =	vst v63  }
0x3a: {  	s25 =	simm.s32 $0x558  }
0x3b: {  	[tilespmem:s3], [sflag:$0x9] =	stream.indirect.gather [spmem:s1], $0x80, s25, s18, $0xb8;
	[tilespmem:$0xF3C0] =	vst v63  }
0x3c: {  	s5 =	simm.s32 $0x580  }
0x3d: {  	[tilespmem:s4], [sflag:$0xA] =	stream.indirect.gather [spmem:s1], $0x80, s5, s18, $0xb8;
	[tilespmem:$0xF3C0] =	vst v63  }
0x3e: {  	s25 =	simm.s32 $0x5A8;
	s5 =	simm.s32 $0xDFC0  }
0x3f: {  	[tilespmem:s5], [sflag:$0xB] =	stream.indirect.gather [spmem:s1], $0x80, s25, s18, $0xb8;
	[tilespmem:$0xF3C0] =	vst v63  }
0x40: {  	_ =	swait.ge [sflag:s6], $0x1400  }
0x41: {  	[sflag:s6] =	ssyncset.done $0x0  }
0x42: {  	s25 =	rddreg [dreg:$0x8];
	[sflag:s6] =	ssyncadd.s32 $0xFFFFEC00  }
0x43: {  	[hbm4b:s25+s2] =	stream.linear.scatter [tilespmem:s0], [sflag:$0xC], $0x1400, $0x38;
	[tilespmem:$0xF3C0] =	vst v63  }
0x44: {  	_ =	swait.ge [sflag:s7], $0x1400  }
0x45: {  	[sflag:s7] =	ssyncset.done $0x0  }
0x46: {  	s25 =	rddreg [dreg:$0x9];
	[sflag:s7] =	ssyncadd.s32 $0xFFFFEC00  }
0x47: {  	[hbm4b:s25+s2] =	stream.linear.scatter [tilespmem:s22], [sflag:$0xD], $0x1400, $0x38;
	[tilespmem:$0xF3C0] =	vst v63  }
0x48: {  	_ =	swait.ge [sflag:s8], $0x1400  }
0x49: {  	[sflag:s8] =	ssyncset.done $0x0  }
0x4a: {  	s25 =	rddreg [dreg:$0xa];
	[sflag:s8] =	ssyncadd.s32 $0xFFFFEC00  }
0x4b: {  	[hbm4b:s25+s2] =	stream.linear.scatter [tilespmem:s26], [sflag:$0xE], $0x1400, $0x38;
	[tilespmem:$0xF3C0] =	vst v63  }
0x4c: {  	_ =	swait.ge [sflag:s9], $0x1400  }
0x4d: {  	[sflag:s9] =	ssyncset.done $0x0  }
0x4e: {  	s25 =	rddreg [dreg:$0xb];
	[sflag:s9] =	ssyncadd.s32 $0xFFFFEC00  }
0x4f: {  	[hbm4b:s25+s2] =	stream.linear.scatter [tilespmem:s30], [sflag:$0xF], $0x1400, $0x38;
	[tilespmem:$0xF3C0] =	vst v63  }
0x50: {  	_ =	swait.ge [sflag:s10], $0x1400  }
0x51: {  	[sflag:s10] =	ssyncset.done $0x0  }
0x52: {  	s25 =	rddreg [dreg:$0xc];
	[sflag:s10] =	ssyncadd.s32 $0xFFFFEC00  }
0x53: {  	[hbm4b:s25+s2] =	stream.linear.scatter [tilespmem:s20], [sflag:$0x10], $0x1400, $0x38;
	[tilespmem:$0xF3C0] =	vst v63  }
0x54: {  	_ =	swait.ge [sflag:s11], $0x1400  }
0x55: {  	[sflag:s11] =	ssyncset.done $0x0  }
0x56: {  	s25 =	rddreg [dreg:$0xd];
	[sflag:s11] =	ssyncadd.s32 $0xFFFFEC00  }
0x57: {  	[hbm4b:s25+s2] =	stream.linear.scatter [tilespmem:s24], [sflag:$0x11], $0x1400, $0x38;
	[tilespmem:$0xF3C0] =	vst v63  }
0x58: {  	_ =	swait.ge [sflag:s12], $0x1400  }
0x59: {  	[sflag:s12] =	ssyncset.done $0x0  }
0x5a: {  	s25 =	rddreg [dreg:$0xe];
	[sflag:s12] =	ssyncadd.s32 $0xFFFFEC00  }
0x5b: {  	[hbm4b:s25+s2] =	stream.linear.scatter [tilespmem:s29], [sflag:$0x12], $0x1400, $0x38;
	[tilespmem:$0xF3C0] =	vst v63  }
0x5c: {  	_ =	swait.ge [sflag:s16], $0x1400  }
0x5d: {  	[sflag:s16] =	ssyncset.done $0x0  }
0x5e: {  	s25 =	rddreg [dreg:$0xf];
	[sflag:s16] =	ssyncadd.s32 $0xFFFFEC00  }
0x5f: {  	[hbm4b:s25+s2] =	stream.linear.scatter [tilespmem:s3], [sflag:$0x13], $0x1400, $0x38;
	[tilespmem:$0xF3C0] =	vst v63  }
0x60: {  	_ =	swait.ge [sflag:s13], $0x1400  }
0x61: {  	[sflag:s13] =	ssyncset.done $0x0  }
0x62: {  	s25 =	rddreg [dreg:$0x10];
	[sflag:s13] =	ssyncadd.s32 $0xFFFFEC00  }
0x63: {  	[hbm4b:s25+s2] =	stream.linear.scatter [tilespmem:s4], [sflag:$0x14], $0x1400, $0x38;
	[tilespmem:$0xF3C0] =	vst v63  }
0x64: {  	_ =	swait.ge [sflag:s14], $0x1400  }
0x65: {  	[sflag:s14] =	ssyncset.done $0x0  }
0x66: {  	s25 =	rddreg [dreg:$0x11];
	[sflag:s14] =	ssyncadd.s32 $0xFFFFEC00  }
0x67: {  	[hbm4b:s25+s2] =	stream.linear.scatter [tilespmem:s5], [sflag:$0x15], $0x1400, $0x38;
	[tilespmem:$0xF3C0] =	vst v63  }
0x68: {  	s25 =	simm.s32 $0xC  }
0x69: {  	_ =	swait.ge [sflag:s25], $0x1400  }
0x6a: {  	[sflag:s25] =	ssyncset.done $0x0  }
0x6b: {  	[sflag:s25] =	ssyncadd.s32 $0xFFFFEC00;
	s25 =	simm.s32 $0x5D0  }
0x6c: {  	[tilespmem:s0], [sflag:$0x2] =	stream.indirect.gather [spmem:s1], $0x80, s25, s18, $0xb8;
	[tilespmem:$0xF3C0] =	vst v63  }
0x6d: {  	s25 =	simm.s32 $0xD  }
0x6e: {  	_ =	swait.ge [sflag:s25], $0x1400  }
0x6f: {  	[sflag:s25] =	ssyncset.done $0x0  }
0x70: {  	[sflag:s25] =	ssyncadd.s32 $0xFFFFEC00;
	s25 =	simm.s32 $0x5F8  }
0x71: {  	[tilespmem:s22], [sflag:$0x3] =	stream.indirect.gather [spmem:s1], $0x80, s25, s18, $0xb8;
	[tilespmem:$0xF3C0] =	vst v63  }
0x72: {  	s25 =	simm.s32 $0xE  }
0x73: {  	_ =	swait.ge [sflag:s25], $0x1400  }
0x74: {  	[sflag:s25] =	ssyncset.done $0x0  }
0x75: {  	[sflag:s25] =	ssyncadd.s32 $0xFFFFEC00;
	s25 =	simm.s32 $0x620  }
0x76: {  	[tilespmem:s26], [sflag:$0x4] =	stream.indirect.gather [spmem:s1], $0x80, s25, s18, $0xb8;
	[tilespmem:$0xF3C0] =	vst v63  }
0x77: {  	s25 =	simm.s32 $0xF  }
0x78: {  	_ =	swait.ge [sflag:s25], $0x1400  }
0x79: {  	[sflag:s25] =	ssyncset.done $0x0  }
0x7a: {  	[sflag:s25] =	ssyncadd.s32 $0xFFFFEC00;
	s25 =	simm.s32 $0x648  }
0x7b: {  	[tilespmem:s30], [sflag:$0x5] =	stream.indirect.gather [spmem:s1], $0x80, s25, s18, $0xb8;
	[tilespmem:$0xF3C0] =	vst v63  }
0x7c: {  	s25 =	simm.s32 $0x10  }
0x7d: {  	_ =	swait.ge [sflag:s25], $0x1400  }
0x7e: {  	[sflag:s25] =	ssyncset.done $0x0  }
0x7f: {  	[sflag:s25] =	ssyncadd.s32 $0xFFFFEC00;
	s25 =	simm.s32 $0x670  }
0x80: {  	[tilespmem:s20], [sflag:$0x6] =	stream.indirect.gather [spmem:s1], $0x80, s25, s18, $0xb8;
	[tilespmem:$0xF3C0] =	vst v63  }
0x81: {  	s25 =	simm.s32 $0x11  }
0x82: {  	_ =	swait.ge [sflag:s25], $0x1400  }
0x83: {  	[sflag:s25] =	ssyncset.done $0x0  }
0x84: {  	[sflag:s25] =	ssyncadd.s32 $0xFFFFEC00;
	s25 =	simm.s32 $0x698  }
0x85: {  	[tilespmem:s24], [sflag:$0x7] =	stream.indirect.gather [spmem:s1], $0x80, s25, s18, $0xb8;
	[tilespmem:$0xF3C0] =	vst v63  }
0x86: {  	_ =	swait.ge [sflag:s15], $0x1400  }
0x87: {  	[sflag:s15] =	ssyncset.done $0x0  }
0x88: {  	s25 =	simm.s32 $0x6C0;
	[sflag:s15] =	ssyncadd.s32 $0xFFFFEC00  }
0x89: {  	[tilespmem:s29], [sflag:$0x8] =	stream.indirect.gather [spmem:s1], $0x80, s25, s18, $0xb8;
	[tilespmem:$0xF3C0] =	vst v63  }
0x8a: {  	_ =	swait.ge [sflag:s17], $0x1400  }
0x8b: {  	[sflag:s17] =	ssyncset.done $0x0  }
0x8c: {  	s25 =	simm.s32 $0x6E8;
	[sflag:s17] =	ssyncadd.s32 $0xFFFFEC00  }
0x8d: {  	[tilespmem:s3], [sflag:$0x9] =	stream.indirect.gather [spmem:s1], $0x80, s25, s18, $0xb8;
	[tilespmem:$0xF3C0] =	vst v63  }
0x8e: {  	_ =	swait.ge [sflag:s19], $0x1400  }
0x8f: {  	[sflag:s19] =	ssyncset.done $0x0  }
0x90: {  	s25 =	simm.s32 $0x710;
	[sflag:s19] =	ssyncadd.s32 $0xFFFFEC00  }
0x91: {  	[tilespmem:s4], [sflag:$0xA] =	stream.indirect.gather [spmem:s1], $0x80, s25, s18, $0xb8;
	[tilespmem:$0xF3C0] =	vst v63  }
0x92: {  	_ =	swait.ge [sflag:s21], $0x1400  }
0x93: {  	[sflag:s21] =	ssyncset.done $0x0  }
0x94: {  	s25 =	simm.s32 $0x738;
	[sflag:s21] =	ssyncadd.s32 $0xFFFFEC00  }
0x95: {  	[tilespmem:s5], [sflag:$0xB] =	stream.indirect.gather [spmem:s1], $0x80, s25, s18, $0xb8;
	[tilespmem:$0xF3C0] =	vst v63  }
0x96: {  	_ =	swait.ge [sflag:s6], $0x1400  }
0x97: {  	s25 =	rddreg [dreg:$0x5]  }
0x98: {  	[sflag:s6] =	ssyncset.done $0x0;
	s5 =	sadd.s32 $0x0, s25  }
0x99: {  	[sflag:s6] =	ssyncadd.s32 $0xFFFFEC00;
	s23 =	sadd.s32 $0x1900, s5  }
0x9a: {  	[hbm4b:s23+s2] =	stream.linear.scatter [tilespmem:s0], [sflag:$0xC], $0x1400, $0x38;
	[tilespmem:$0xF3C0] =	vst v63  }
0x9b: {  	_ =	swait.ge [sflag:s7], $0x1400  }
0x9c: {  	[sflag:s7] =	ssyncset.done $0x0  }
0x9d: {  	[sflag:s7] =	ssyncadd.s32 $0xFFFFEC00;
	s7 =	sadd.s32 $0x1B80, s5  }
0x9e: {  	[hbm4b:s7+s2] =	stream.linear.scatter [tilespmem:s22], [sflag:$0xD], $0x1400, $0x38;
	[tilespmem:$0xF3C0] =	vst v63  }
0x9f: {  	_ =	swait.ge [sflag:s8], $0x1400  }
0xa0: {  	[sflag:s8] =	ssyncset.done $0x0  }
0xa1: {  	[sflag:s8] =	ssyncadd.s32 $0xFFFFEC00;
	s8 =	sadd.s32 $0x1E00, s5  }
0xa2: {  	[hbm4b:s8+s2] =	stream.linear.scatter [tilespmem:s26], [sflag:$0xE], $0x1400, $0x38;
	[tilespmem:$0xF3C0] =	vst v63  }
0xa3: {  	_ =	swait.ge [sflag:s9], $0x1400  }
0xa4: {  	[sflag:s9] =	ssyncset.done $0x0  }
0xa5: {  	[sflag:s9] =	ssyncadd.s32 $0xFFFFEC00;
	s9 =	sadd.s32 $0x2080, s5  }
0xa6: {  	[hbm4b:s9+s2] =	stream.linear.scatter [tilespmem:s30], [sflag:$0xF], $0x1400, $0x38;
	[tilespmem:$0xF3C0] =	vst v63  }
0xa7: {  	_ =	swait.ge [sflag:s10], $0x1400  }
0xa8: {  	[sflag:s10] =	ssyncset.done $0x0  }
0xa9: {  	[sflag:s10] =	ssyncadd.s32 $0xFFFFEC00;
	s10 =	sadd.s32 $0x2300, s5  }
0xaa: {  	[hbm4b:s10+s2] =	stream.linear.scatter [tilespmem:s20], [sflag:$0x10], $0x1400, $0x38;
	[tilespmem:$0xF3C0] =	vst v63  }
0xab: {  	_ =	swait.ge [sflag:s11], $0x1400  }
0xac: {  	[sflag:s11] =	ssyncset.done $0x0  }
0xad: {  	s22 =	sadd.s32 $0x2580, s5;
	[sflag:s11] =	ssyncadd.s32 $0xFFFFEC00  }
0xae: {  	[hbm4b:s22+s2] =	stream.linear.scatter [tilespmem:s24], [sflag:$0x11], $0x1400, $0x38;
	[tilespmem:$0xF3C0] =	vst v63  }
0xaf: {  	s25 =	simm.s32 $0x8C8;
	_ =	swait.ge [sflag:s12], $0x1400  }
0xb0: {  	s28 =	sadd.s32 $0x2F80, s5;
	s23 =	simm.s32 $0x1900;
	[sflag:s12] =	ssyncset.done $0x0  }
0xb1: {  	s0 =	simm.s32 $0x2BC0;
	s24 =	sadd.s32 $0x2800, s5;
	[sflag:s12] =	ssyncadd.s32 $0xFFFFEC00  }
0xb2: {  	[hbm4b:s24+s2] =	stream.linear.scatter [tilespmem:s29], [sflag:$0x12], $0x1400, $0x38;
	[tilespmem:$0xF3C0] =	vst v63  }
0xb3: {  	s7 =	simm.s32 $0x3;
	s26 =	sadd.s32 $0x2A80, s5;
	_ =	swait.ge [sflag:s16], $0x1400  }
0xb4: {  	s8 =	simm.s32 $0x4;
	s30 =	sadd.s32 $0x2D00, s5;
	[sflag:s16] =	ssyncset.done $0x0  }
0xb5: {  	s9 =	simm.s32 $0x5;
	s20 =	simm.s32 $0x7BC0;
	[sflag:s16] =	ssyncadd.s32 $0xFFFFEC00  }
0xb6: {  	[hbm4b:s26+s2] =	stream.linear.scatter [tilespmem:s3], [sflag:$0x13], $0x1400, $0x38;
	[tilespmem:$0xF3C0] =	vst v63  }
0xb7: {  	s10 =	simm.s32 $0x6;
	s11 =	simm.s32 $0x7;
	_ =	swait.ge [sflag:s13], $0x1400  }
0xb8: {  	s22 =	simm.s32 $0x3FC0;
	s12 =	simm.s32 $0x8;
	[sflag:s13] =	ssyncset.done $0x0  }
0xb9: {  	s24 =	simm.s32 $0x8FC0;
	s29 =	simm.s32 $0xA3C0;
	[sflag:s13] =	ssyncadd.s32 $0xFFFFEC00  }
0xba: {  	[hbm4b:s30+s2] =	stream.linear.scatter [tilespmem:s4], [sflag:$0x14], $0x1400, $0x38;
	[tilespmem:$0xF3C0] =	vst v63  }
0xbb: {  	s16 =	simm.s32 $0x9;
	s26 =	simm.s32 $0x53C0;
	_ =	swait.ge [sflag:s14], $0x1400  }
0xbc: {  	s3 =	simm.s32 $0xB7C0;
	s13 =	simm.s32 $0xA;
	[sflag:s14] =	ssyncset.done $0x0  }
0xbd: {  	s4 =	simm.s32 $0xCBC0;
	[sflag:s14] =	ssyncadd.s32 $0xFFFFEC00;
	s14 =	simm.s32 $0xB  }
.LBB2_2:
0xbe: {  	s6 =	simm.s32 $0xDFC0;
	s5 =	simm.s32 $0xC  }
0xbf: {  	[hbm4b:s28+s2] =	stream.linear.scatter [tilespmem:s6], [sflag:$0x15], $0x1400, $0x38;
	[tilespmem:$0xF3C0] =	vst v63  }
0xc0: {  	_ =	swait.ge [sflag:s5], $0x1400  }
0xc1: {  	[sflag:s5] =	ssyncset.done $0x0  }
0xc2: {  	s30 =	sadd.s32 $0xFFFFFE98, s25;
	[sflag:s5] =	ssyncadd.s32 $0xFFFFEC00  }
0xc3: {  	[tilespmem:s0], [sflag:$0x2] =	stream.indirect.gather [spmem:s1], $0x80, s30, s18, $0xb8;
	[tilespmem:$0xF3C0] =	vst v63  }
0xc4: {  	s30 =	simm.s32 $0xD  }
0xc5: {  	_ =	swait.ge [sflag:s30], $0x1400  }
0xc6: {  	[sflag:s30] =	ssyncset.done $0x0  }
0xc7: {  	s5 =	sadd.s32 $0xFFFFFEC0, s25;
	[sflag:s30] =	ssyncadd.s32 $0xFFFFEC00;
	s30 =	simm.s32 $0xE  }
0xc8: {  	[tilespmem:s22], [sflag:$0x3] =	stream.indirect.gather [spmem:s1], $0x80, s5, s18, $0xb8;
	[tilespmem:$0xF3C0] =	vst v63  }
0xc9: {  	_ =	swait.ge [sflag:s30], $0x1400  }
0xca: {  	[sflag:s30] =	ssyncset.done $0x0  }
0xcb: {  	s5 =	sadd.s32 $0xFFFFFEE8, s25;
	[sflag:s30] =	ssyncadd.s32 $0xFFFFEC00;
	s30 =	simm.s32 $0xF  }
0xcc: {  	[tilespmem:s26], [sflag:$0x4] =	stream.indirect.gather [spmem:s1], $0x80, s5, s18, $0xb8;
	[tilespmem:$0xF3C0] =	vst v63  }
0xcd: {  	_ =	swait.ge [sflag:s30], $0x1400  }
0xce: {  	[sflag:s30] =	ssyncset.done $0x0  }
0xcf: {  	s5 =	sadd.s32 $0xFFFFFF10, s25;
	[sflag:s30] =	ssyncadd.s32 $0xFFFFEC00;
	s30 =	simm.s32 $0x10  }
0xd0: {  	[tilespmem:s31], [sflag:$0x5] =	stream.indirect.gather [spmem:s1], $0x80, s5, s18, $0xb8;
	[tilespmem:$0xF3C0] =	vst v63  }
0xd1: {  	_ =	swait.ge [sflag:s30], $0x1400  }
0xd2: {  	[sflag:s30] =	ssyncset.done $0x0  }
0xd3: {  	s5 =	sadd.s32 $0xFFFFFF38, s25;
	[sflag:s30] =	ssyncadd.s32 $0xFFFFEC00;
	s30 =	simm.s32 $0x11  }
0xd4: {  	[tilespmem:s20], [sflag:$0x6] =	stream.indirect.gather [spmem:s1], $0x80, s5, s18, $0xb8;
	[tilespmem:$0xF3C0] =	vst v63  }
0xd5: {  	_ =	swait.ge [sflag:s30], $0x1400  }
0xd6: {  	[sflag:s30] =	ssyncset.done $0x0  }
0xd7: {  	s5 =	sadd.s32 $0xFFFFFF60, s25;
	[sflag:s30] =	ssyncadd.s32 $0xFFFFEC00  }
0xd8: {  	[tilespmem:s24], [sflag:$0x7] =	stream.indirect.gather [spmem:s1], $0x80, s5, s18, $0xb8;
	[tilespmem:$0xF3C0] =	vst v63  }
0xd9: {  	_ =	swait.ge [sflag:s15], $0x1400  }
0xda: {  	[sflag:s15] =	ssyncset.done $0x0  }
0xdb: {  	s5 =	sadd.s32 $0xFFFFFF88, s25;
	[sflag:s15] =	ssyncadd.s32 $0xFFFFEC00  }
0xdc: {  	[tilespmem:s29], [sflag:$0x8] =	stream.indirect.gather [spmem:s1], $0x80, s5, s18, $0xb8;
	[tilespmem:$0xF3C0] =	vst v63  }
0xdd: {  	_ =	swait.ge [sflag:s17], $0x1400  }
0xde: {  	[sflag:s17] =	ssyncset.done $0x0  }
0xdf: {  	s5 =	sadd.s32 $0xFFFFFFB0, s25;
	[sflag:s17] =	ssyncadd.s32 $0xFFFFEC00  }
0xe0: {  	[tilespmem:s3], [sflag:$0x9] =	stream.indirect.gather [spmem:s1], $0x80, s5, s18, $0xb8;
	[tilespmem:$0xF3C0] =	vst v63  }
0xe1: {  	_ =	swait.ge [sflag:s19], $0x1400  }
0xe2: {  	[sflag:s19] =	ssyncset.done $0x0  }
0xe3: {  	s5 =	sadd.s32 $0xFFFFFFD8, s25;
	[sflag:s19] =	ssyncadd.s32 $0xFFFFEC00  }
0xe4: {  	[tilespmem:s4], [sflag:$0xA] =	stream.indirect.gather [spmem:s1], $0x80, s5, s18, $0xb8;
	[tilespmem:$0xF3C0] =	vst v63  }
0xe5: {  	_ =	swait.ge [sflag:s21], $0x1400  }
0xe6: {  	[sflag:s21] =	ssyncset.done $0x0  }
0xe7: {  	[sflag:s21] =	ssyncadd.s32 $0xFFFFEC00  }
0xe8: {  	[tilespmem:s6], [sflag:$0xB] =	stream.indirect.gather [spmem:s1], $0x80, s25, s18, $0xb8;
	[tilespmem:$0xF3C0] =	vst v63  }
0xe9: {  	s6 =	simm.s32 $0x2  }
0xea: {  	_ =	swait.ge [sflag:s6], $0x1400  }
0xeb: {  	s28 =	smov.u32 s23;
	s30 =	rddreg [dreg:$0x5]  }
0xec: {  	[sflag:s6] =	ssyncset.done $0x0;
	s28 =	sadd.s32 s28, s30  }
0xed: {  	[sflag:s6] =	ssyncadd.s32 $0xFFFFEC00;
	s30 =	sadd.s32 $0x1900, s28  }
0xee: {  	[hbm4b:s30+s2] =	stream.linear.scatter [tilespmem:s0], [sflag:$0xC], $0x1400, $0x38;
	[tilespmem:$0xF3C0] =	vst v63  }
0xef: {  	_ =	swait.ge [sflag:s7], $0x1400  }
0xf0: {  	[sflag:s7] =	ssyncset.done $0x0  }
0xf1: {  	s30 =	sadd.s32 $0x1B80, s28;
	[sflag:s7] =	ssyncadd.s32 $0xFFFFEC00  }
0xf2: {  	[hbm4b:s30+s2] =	stream.linear.scatter [tilespmem:s22], [sflag:$0xD], $0x1400, $0x38;
	[tilespmem:$0xF3C0] =	vst v63  }
0xf3: {  	_ =	swait.ge [sflag:s8], $0x1400  }
0xf4: {  	[sflag:s8] =	ssyncset.done $0x0  }
0xf5: {  	s30 =	sadd.s32 $0x1E00, s28;
	[sflag:s8] =	ssyncadd.s32 $0xFFFFEC00  }
0xf6: {  	[hbm4b:s30+s2] =	stream.linear.scatter [tilespmem:s26], [sflag:$0xE], $0x1400, $0x38;
	[tilespmem:$0xF3C0] =	vst v63  }
0xf7: {  	_ =	swait.ge [sflag:s9], $0x1400  }
0xf8: {  	[sflag:s9] =	ssyncset.done $0x0  }
0xf9: {  	s30 =	sadd.s32 $0x2080, s28;
	[sflag:s9] =	ssyncadd.s32 $0xFFFFEC00  }
0xfa: {  	[hbm4b:s30+s2] =	stream.linear.scatter [tilespmem:s31], [sflag:$0xF], $0x1400, $0x38;
	[tilespmem:$0xF3C0] =	vst v63  }
0xfb: {  	_ =	swait.ge [sflag:s10], $0x1400  }
0xfc: {  	[sflag:s10] =	ssyncset.done $0x0  }
0xfd: {  	s30 =	sadd.s32 $0x2300, s28;
	[sflag:s10] =	ssyncadd.s32 $0xFFFFEC00  }
0xfe: {  	[hbm4b:s30+s2] =	stream.linear.scatter [tilespmem:s20], [sflag:$0x10], $0x1400, $0x38;
	[tilespmem:$0xF3C0] =	vst v63  }
0xff: {  	_ =	swait.ge [sflag:s11], $0x1400  }
0x100: {  	[sflag:s11] =	ssyncset.done $0x0  }
0x101: {  	s30 =	sadd.s32 $0x2580, s28;
	[sflag:s11] =	ssyncadd.s32 $0xFFFFEC00  }
0x102: {  	[hbm4b:s30+s2] =	stream.linear.scatter [tilespmem:s24], [sflag:$0x11], $0x1400, $0x38;
	[tilespmem:$0xF3C0] =	vst v63  }
0x103: {  	_ =	swait.ge [sflag:s12], $0x1400  }
0x104: {  	[sflag:s12] =	ssyncset.done $0x0  }
0x105: {  	s30 =	sadd.s32 $0x2800, s28;
	[sflag:s12] =	ssyncadd.s32 $0xFFFFEC00  }
0x106: {  	[hbm4b:s30+s2] =	stream.linear.scatter [tilespmem:s29], [sflag:$0x12], $0x1400, $0x38;
	[tilespmem:$0xF3C0] =	vst v63  }
0x107: {  	_ =	swait.ge [sflag:s16], $0x1400  }
0x108: {  	[sflag:s16] =	ssyncset.done $0x0  }
0x109: {  	s30 =	sadd.s32 $0x2A80, s28;
	[sflag:s16] =	ssyncadd.s32 $0xFFFFEC00  }
0x10a: {  	[hbm4b:s30+s2] =	stream.linear.scatter [tilespmem:s3], [sflag:$0x13], $0x1400, $0x38;
	[tilespmem:$0xF3C0] =	vst v63  }
0x10b: {  	_ =	swait.ge [sflag:s13], $0x1400  }
0x10c: {  	p1 =	sne.s32 s23, $0x23F00;
	[sflag:s13] =	ssyncset.done $0x0  }
.Ltmp0:
0x10d: {  	s30 =	sadd.s32 $0x2D00, s28;
	[sflag:s13] =	ssyncadd.s32 $0xFFFFEC00;
	(pc) =	sbr.rel @p1 .LBB2_2-.Ltmp0, $4  }
0x10e: {  	[hbm4b:s30+s2] =	stream.linear.scatter [tilespmem:s4], [sflag:$0x14], $0x1400, $0x38;
	[tilespmem:$0xF3C0] =	vst v63  }
0x10f: {  	_ =	swait.ge [sflag:s14], $0x1400  }
0x110: {  	s23 =	sadd.s32 $0x1900, s23;
	s5 =	simm.s32 $0xDFC0;
	[sflag:s14] =	ssyncset.done $0x0  }
0x111: {  	s25 =	sadd.s32 $0x190, s25;
	s28 =	sadd.s32 $0x2F80, s28;
	[sflag:s14] =	ssyncadd.s32 $0xFFFFEC00  }
0x112: {  	[hbm4b:s28+s2] =	stream.linear.scatter [tilespmem:s5], [sflag:$0x15], $0x1400, $0x38;
	[tilespmem:$0xF3C0] =	vst v63  }
0x113: {  	s0 =	simm.s32 $0xC  }
0x114: {  	_ =	swait.ge [sflag:s0], $0x1400  }
0x115: {  	[sflag:s0] =	ssyncset.done $0x0  }
0x116: {  	s22 =	simm.s32 $0xD;
	[sflag:s0] =	ssyncadd.s32 $0xFFFFEC00  }
0x117: {  	_ =	swait.ge [sflag:s22], $0x1400  }
0x118: {  	[sflag:s22] =	ssyncset.done $0x0  }
0x119: {  	s23 =	simm.s32 $0xE;
	[sflag:s22] =	ssyncadd.s32 $0xFFFFEC00  }
0x11a: {  	_ =	swait.ge [sflag:s23], $0x1400  }
0x11b: {  	[sflag:s23] =	ssyncset.done $0x0  }
0x11c: {  	s24 =	simm.s32 $0xF;
	[sflag:s23] =	ssyncadd.s32 $0xFFFFEC00  }
0x11d: {  	_ =	swait.ge [sflag:s24], $0x1400  }
0x11e: {  	[sflag:s24] =	ssyncset.done $0x0  }
0x11f: {  	s25 =	simm.s32 $0x10;
	[sflag:s24] =	ssyncadd.s32 $0xFFFFEC00  }
0x120: {  	_ =	swait.ge [sflag:s25], $0x1400  }
0x121: {  	[sflag:s25] =	ssyncset.done $0x0  }
0x122: {  	s26 =	simm.s32 $0x11;
	[sflag:s25] =	ssyncadd.s32 $0xFFFFEC00  }
0x123: {  	_ =	swait.ge [sflag:s26], $0x1400  }
0x124: {  	[sflag:s26] =	ssyncset.done $0x0  }
0x125: {  	[sflag:s26] =	ssyncadd.s32 $0xFFFFEC00  }
0x126: {  	_ =	swait.ge [sflag:s15], $0x1400  }
0x127: {  	[sflag:s15] =	ssyncset.done $0x0  }
0x128: {  	[sflag:s15] =	ssyncadd.s32 $0xFFFFEC00  }
0x129: {  	_ =	swait.ge [sflag:s17], $0x1400  }
0x12a: {  	[sflag:s17] =	ssyncset.done $0x0  }
0x12b: {  	[sflag:s17] =	ssyncadd.s32 $0xFFFFEC00  }
0x12c: {  	_ =	swait.ge [sflag:s19], $0x1400  }
0x12d: {  	[sflag:s19] =	ssyncset.done $0x0  }
0x12e: {  	[sflag:s19] =	ssyncadd.s32 $0xFFFFEC00  }
0x12f: {  	s30 =	simm.s32 $0x67C0;
	_ =	swait.ge [sflag:s21], $0x1400  }
0x130: {  	s20 =	simm.s32 $0x7BC0;
	s29 =	simm.s32 $0xA3C0;
	s28 =	rddreg [dreg:$0x13]  }
0x131: {  	s3 =	simm.s32 $0xB7C0;
	s23 =	rddreg [dreg:$0x12];
	s5 =	sadd.s32 $0x1, s28  }
0x132: {  	s4 =	simm.s32 $0xCBC0;
	s7 =	simm.s32 $0x3;
	p1 =	sne.s32 s5, s23  }
.Ltmp1:
0x133: {  	s8 =	simm.s32 $0x4;
	s9 =	simm.s32 $0x5;
	(pc) =	sbr.rel @p1 .LBB2_1-.Ltmp1, $4  }
0x134: {  	s10 =	simm.s32 $0x6;
	s11 =	simm.s32 $0x7;
	s12 =	simm.s32 $0x8  }
0x135: {  	s16 =	simm.s32 $0x9;
	s13 =	simm.s32 $0xA;
	s14 =	simm.s32 $0xB  }
0x136: {  	s0 =	simm.s32 $0x2BC0;
	s22 =	simm.s32 $0x3FC0;
	[sflag:s21] =	ssyncset.done $0x0  }
0x137: {  	s24 =	simm.s32 $0x8FC0;
	s26 =	simm.s32 $0x53C0;
	[sflag:s21] =	ssyncadd.s32 $0xFFFFEC00  }
0x138: {  	_ =	sfence.sel $0x180000  }
0x139: {  	[bflag:$0x0] =	sbarrier.arrive $0xFFFF  }
0x13a: {  	_ =	strace $0x90000047  }
0x13b: {  	[bflag:$0x2] =	sbarrier.arrive $0xFFFF  }
0x13c: {  	s0 =	rddreg [dreg:$0x4]  }
0x13d: {  	s0 =	sadd.s32 @!p0 $0x100000, s0  }
0x13e: {  	[sflag:s0] =	ssyncadd.tile.s32 @!p0 $0x1;
	_ =	shalt  }
.Lfunc_end2:
_tile_overlayer_lowered:
.L_overlay_start_2:
0x13f: {  	(tag) =	ssettag $0x2  }
0x140: {  	s0 =	rddreg [dreg:$0x0];
	s2 =	stileid.u32  }
0x141: {  	s1 =	rddreg [dreg:$0x1];
	p0 =	sne.s32 s2, $0x0  }
0x142: {  	s3 =	rddreg [dreg:$0x2];
	[bflag:$0x3] =	sbarrier.arrive $0xFFFF;
	s2 =	simm.s32 @!p0 $0x1C16  }
0x143: {  	[timem:s3], [sflag:s2] =	dma.local @!p0 [hbm:s0], s1  }
0x144: {  	s0 =	simm.s32 @!p0 $0x16  }
0x145: {  	_ =	swait.ge @!p0 [sflag:s0], s1  }
0x146: {  	s1 =	ssub.s32 @!p0 $0x0, s1;
	[sflag:s0] =	ssyncset.done @!p0 $0x0  }
0x147: {  	[sflag:s0] =	ssyncadd.s32 @!p0 s1  }
0x148: {  	[bflag:$0x3] =	sbarrier.arrive $0xFFFF  }
0x149: {  	_ =	shalt  }

</sc_bundles>
